<compile_context>
chip_gen: v7x
topology: tpu7x:2x2x1
jax: 0.10.2.dev20260603
libtpu: 0.0.44.dev20260713+nightly
codegen_flags: <defaults>
</compile_context>

<pallas_src>
import functools

import jax
import jax.numpy as jnp
from jax import lax
from jax.experimental import pallas as pl
from jax.experimental.pallas import tpu as pltpu
from jax.experimental.pallas import tpu_sc as plsc

ANCHOR_INTERVAL = 16
_B, _H, _S, _D = 4, 16, 4096, 128
_A = _S // ANCHOR_INTERVAL
_G = _B * _H
_R = _G * _A


_mesh = plsc.VectorSubcoreMesh(core_axis_name="c", subcore_axis_name="s")
_NC = 2
_NS = 16
_NW = _NC * _NS
_ROWS_PER_W = _R // _NW
_CHUNK = 64
_NBUF = 8
_NCHUNK = _ROWS_PER_W // _CHUNK


@functools.partial(
    pl.kernel,
    out_type=jax.ShapeDtypeStruct((_R, _D), jnp.float32),
    mesh=_mesh,
    scratch_types=(
        [pltpu.VMEM((_CHUNK, _D), jnp.float32) for _ in range(_NBUF)]
        + [pltpu.SemaphoreType.DMA for _ in range(2 * _NBUF)]
    ),
)
def _sc_gather(v3, v_out, *scratch):
    bufs = scratch[:_NBUF]
    gsems = scratch[_NBUF:2 * _NBUF]
    ssems = scratch[2 * _NBUF:]
    wid = lax.axis_index("s") * _NC + lax.axis_index("c")
    base = wid * _ROWS_PER_W
    n = _NCHUNK

    def start_gather(i):
        sl = pl.ds(base + i * _CHUNK, _CHUNK)
        return pltpu.async_copy(v3.at[sl, 0, :], bufs[i % _NBUF], gsems[i % _NBUF])

    def start_scatter(i):
        sl = pl.ds(base + i * _CHUNK, _CHUNK)
        return pltpu.async_copy(bufs[i % _NBUF], v_out.at[sl, :], ssems[i % _NBUF])

    gathers = [None] * n
    scatters = [None] * n
    for j in range(min(_NBUF, n)):
        gathers[j] = start_gather(j)
    for i in range(n):
        gathers[i].wait()
        scatters[i] = start_scatter(i)
        if i + _NBUF < n:
            scatters[i].wait()
            gathers[i + _NBUF] = start_gather(i + _NBUF)
    for i in range(max(0, n - _NBUF), n):
        scatters[i].wait()



_Q = 4
_GQ = _G // _Q
_GB = 4


def _tc_body(*refs):
    ins, ko = refs[:_Q], refs[_Q]
    for q in range(_Q):
        ko[q] = ins[q][0, :, :, 0, 0, :]


def _tc_gather(k6):
    in_specs = [
        pl.BlockSpec((1, _GB, _A, 1, 1, _D),
                     functools.partial(lambda q, i: (q, i, 0, 0, 0, 0), q))
        for q in range(_Q)
    ]
    out_spec = pl.BlockSpec((_Q, _GB, _A, _D), lambda i: (0, i, 0, 0))
    return pl.pallas_call(
        _tc_body,
        grid=(_GQ // _GB,),
        in_specs=in_specs,
        out_specs=out_spec,
        out_shape=jax.ShapeDtypeStruct((_Q, _GQ, _A, _D), jnp.float32),
    )(*([k6] * _Q))


def kernel(k, v):
    k6 = k.reshape(_Q, _GQ, _A, ANCHOR_INTERVAL, 1, _D)
    v3 = v.reshape(_R, ANCHOR_INTERVAL, _D)
    ko = _tc_gather(k6)
    vo = _sc_gather(v3)
    return (ko.reshape(_B, _H, _A, _D), vo.reshape(_B, _H, _A, _D))

# --- scband reference (transcript-rebuilt; emitter-appended) ---
"""Pipeline reference for scband-anchor-memory-bank-22076131901742 (READ-ONLY COPY).

The authoritative reference and input builder live on the scoring server;
editing this copy changes nothing except your own understanding.
"""

import jax, jax.numpy as jnp
import numpy as np

ANCHOR_INTERVAL = 16

def setup_inputs(seed: int = 0) -> dict:
    key = jax.random.key(seed)
    k1, k2 = jax.random.split(key)
    k = jax.random.normal(k1, (4, 16, 4096, 128), dtype=jnp.float32)
    v = jax.random.normal(k2, (4, 16, 4096, 128), dtype=jnp.float32)
    return {"k": k, "v": v}

def reference(k, v):
    seq_len = k.shape[-2]
    if seq_len < ANCHOR_INTERVAL:
        return (k, v)
    # BOS token (index 0) plus every ANCHOR_INTERVAL-th token
    indices = jnp.arange(0, seq_len, ANCHOR_INTERVAL, dtype=jnp.int32)
    k_anchors = jnp.take(k, indices, axis=-2)
    v_anchors = jnp.take(v, indices, axis=-2)
    return (k_anchors, v_anchors)

if __name__ == "__main__":
    import jax
    _d = setup_inputs()
    print(jax.jit(kernel)(*tuple(_d.values())))

</pallas_src>

<mosaic_0001>
#map = affine_map<(d0, d1) -> (0, 0, 0)>
#map1 = affine_map<(d0, d1) -> (0, 0)>
module attributes {stable_mosaic.version = 14 : i64} {
  func.func @_sc_gather(%arg0: i32, %arg1: i32, %arg2: memref<16384x16x128xf32, #tpu.memory_space<hbm>>, %arg3: memref<16384x128xf32, #tpu.memory_space<hbm>>, %arg4: memref<64x128xf32, #tpu.memory_space<vmem>>, %arg5: memref<64x128xf32, #tpu.memory_space<vmem>>, %arg6: memref<64x128xf32, #tpu.memory_space<vmem>>, %arg7: memref<64x128xf32, #tpu.memory_space<vmem>>, %arg8: memref<64x128xf32, #tpu.memory_space<vmem>>, %arg9: memref<64x128xf32, #tpu.memory_space<vmem>>, %arg10: memref<64x128xf32, #tpu.memory_space<vmem>>, %arg11: memref<64x128xf32, #tpu.memory_space<vmem>>, %arg12: memref<!tpu.dma_semaphore, #tpu.memory_space<semaphore_mem>>, %arg13: memref<!tpu.dma_semaphore, #tpu.memory_space<semaphore_mem>>, %arg14: memref<!tpu.dma_semaphore, #tpu.memory_space<semaphore_mem>>, %arg15: memref<!tpu.dma_semaphore, #tpu.memory_space<semaphore_mem>>, %arg16: memref<!tpu.dma_semaphore, #tpu.memory_space<semaphore_mem>>, %arg17: memref<!tpu.dma_semaphore, #tpu.memory_space<semaphore_mem>>, %arg18: memref<!tpu.dma_semaphore, #tpu.memory_space<semaphore_mem>>, %arg19: memref<!tpu.dma_semaphore, #tpu.memory_space<semaphore_mem>>, %arg20: memref<!tpu.dma_semaphore, #tpu.memory_space<semaphore_mem>>, %arg21: memref<!tpu.dma_semaphore, #tpu.memory_space<semaphore_mem>>, %arg22: memref<!tpu.dma_semaphore, #tpu.memory_space<semaphore_mem>>, %arg23: memref<!tpu.dma_semaphore, #tpu.memory_space<semaphore_mem>>, %arg24: memref<!tpu.dma_semaphore, #tpu.memory_space<semaphore_mem>>, %arg25: memref<!tpu.dma_semaphore, #tpu.memory_space<semaphore_mem>>, %arg26: memref<!tpu.dma_semaphore, #tpu.memory_space<semaphore_mem>>, %arg27: memref<!tpu.dma_semaphore, #tpu.memory_space<semaphore_mem>>) attributes {dimension_semantics = [#tpu.dimension_semantics<core_parallel>, #tpu.dimension_semantics<subcore_parallel>], iteration_bounds = array<i64: 2, 16>, scalar_prefetch = 0 : i64, scratch_operands = 24 : i64, tpu.core_type = #tpu.core_type<sc_vector_subcore>, window_params = [{transform_indices = #map}, {transform_indices = #map1}]} {
    %mul3A = arith.constant 2 : i32
    %mul3A_0 = arith.muli %arg1, %mul3A : i32
    %add3A = arith.addi %mul3A_0, %arg0 : i32
    %mul3A_1 = arith.constant 512 : i32
    %mul3A_2 = arith.muli %add3A, %mul3A_1 : i32
    %add3A_3 = arith.constant 0 : i32
    %add3A_4 = arith.addi %mul3A_2, %add3A_3 : i32
    %dma_start3A = arith.constant 0 : i32
    %dma_start3A_5 = arith.constant 0 : i32
    %dma_start3A_6 = tpu.memref_slice %arg2[%add3A_4, %dma_start3A, %dma_start3A_5] : memref<16384x16x128xf32, #tpu.memory_space<hbm>> -> memref<64x1x128xf32, #tpu.memory_space<hbm>>
    %dma_start3A_7 = tpu.memref_squeeze %dma_start3A_6 : memref<64x1x128xf32, #tpu.memory_space<hbm>> -> memref<64x128xf32, #tpu.memory_space<hbm>>
    %dma_start3A_8 = arith.constant 0 : i32
    %dma_start3A_9 = tpu.memref_slice %arg2[%add3A_4, %dma_start3A, %dma_start3A_8] : memref<16384x16x128xf32, #tpu.memory_space<hbm>> -> memref<64x1x128xf32, #tpu.memory_space<hbm>>
    %dma_start3A_10 = tpu.memref_squeeze %dma_start3A_9 : memref<64x1x128xf32, #tpu.memory_space<hbm>> -> memref<64x128xf32, #tpu.memory_space<hbm>>
    tpu.enqueue_dma source(%dma_start3A_10 : memref<64x128xf32, #tpu.memory_space<hbm>>) target(%arg4 : memref<64x128xf32, #tpu.memory_space<vmem>>) target_semaphore(%arg12 : memref<!tpu.dma_semaphore, #tpu.memory_space<semaphore_mem>>)
    %add3A_11 = arith.constant 64 : i32
    %add3A_12 = arith.addi %mul3A_2, %add3A_11 : i32
    %dma_start3A_13 = arith.constant 0 : i32
    %dma_start3A_14 = arith.constant 0 : i32
    %dma_start3A_15 = tpu.memref_slice %arg2[%add3A_12, %dma_start3A_13, %dma_start3A_14] : memref<16384x16x128xf32, #tpu.memory_space<hbm>> -> memref<64x1x128xf32, #tpu.memory_space<hbm>>
    %dma_start3A_16 = tpu.memref_squeeze %dma_start3A_15 : memref<64x1x128xf32, #tpu.memory_space<hbm>> -> memref<64x128xf32, #tpu.memory_space<hbm>>
    %dma_start3A_17 = arith.constant 0 : i32
    %dma_start3A_18 = tpu.memref_slice %arg2[%add3A_12, %dma_start3A_13, %dma_start3A_17] : memref<16384x16x128xf32, #tpu.memory_space<hbm>> -> memref<64x1x128xf32, #tpu.memory_space<hbm>>
    %dma_start3A_19 = tpu.memref_squeeze %dma_start3A_18 : memref<64x1x128xf32, #tpu.memory_space<hbm>> -> memref<64x128xf32, #tpu.memory_space<hbm>>
    tpu.enqueue_dma source(%dma_start3A_19 : memref<64x128xf32, #tpu.memory_space<hbm>>) target(%arg5 : memref<64x128xf32, #tpu.memory_space<vmem>>) target_semaphore(%arg13 : memref<!tpu.dma_semaphore, #tpu.memory_space<semaphore_mem>>)
    %add3A_20 = arith.constant 128 : i32
    %add3A_21 = arith.addi %mul3A_2, %add3A_20 : i32
    %dma_start3A_22 = arith.constant 0 : i32
    %dma_start3A_23 = arith.constant 0 : i32
    %dma_start3A_24 = tpu.memref_slice %arg2[%add3A_21, %dma_start3A_22, %dma_start3A_23] : memref<16384x16x128xf32, #tpu.memory_space<hbm>> -> memref<64x1x128xf32, #tpu.memory_space<hbm>>
    %dma_start3A_25 = tpu.memref_squeeze %dma_start3A_24 : memref<64x1x128xf32, #tpu.memory_space<hbm>> -> memref<64x128xf32, #tpu.memory_space<hbm>>
    %dma_start3A_26 = arith.constant 0 : i32
    %dma_start3A_27 = tpu.memref_slice %arg2[%add3A_21, %dma_start3A_22, %dma_start3A_26] : memref<16384x16x128xf32, #tpu.memory_space<hbm>> -> memref<64x1x128xf32, #tpu.memory_space<hbm>>
    %dma_start3A_28 = tpu.memref_squeeze %dma_start3A_27 : memref<64x1x128xf32, #tpu.memory_space<hbm>> -> memref<64x128xf32, #tpu.memory_space<hbm>>
    tpu.enqueue_dma source(%dma_start3A_28 : memref<64x128xf32, #tpu.memory_space<hbm>>) target(%arg6 : memref<64x128xf32, #tpu.memory_space<vmem>>) target_semaphore(%arg14 : memref<!tpu.dma_semaphore, #tpu.memory_space<semaphore_mem>>)
    %add3A_29 = arith.constant 192 : i32
    %add3A_30 = arith.addi %mul3A_2, %add3A_29 : i32
    %dma_start3A_31 = arith.constant 0 : i32
    %dma_start3A_32 = arith.constant 0 : i32
    %dma_start3A_33 = tpu.memref_slice %arg2[%add3A_30, %dma_start3A_31, %dma_start3A_32] : memref<16384x16x128xf32, #tpu.memory_space<hbm>> -> memref<64x1x128xf32, #tpu.memory_space<hbm>>
    %dma_start3A_34 = tpu.memref_squeeze %dma_start3A_33 : memref<64x1x128xf32, #tpu.memory_space<hbm>> -> memref<64x128xf32, #tpu.memory_space<hbm>>
    %dma_start3A_35 = arith.constant 0 : i32
    %dma_start3A_36 = tpu.memref_slice %arg2[%add3A_30, %dma_start3A_31, %dma_start3A_35] : memref<16384x16x128xf32, #tpu.memory_space<hbm>> -> memref<64x1x128xf32, #tpu.memory_space<hbm>>
    %dma_start3A_37 = tpu.memref_squeeze %dma_start3A_36 : memref<64x1x128xf32, #tpu.memory_space<hbm>> -> memref<64x128xf32, #tpu.memory_space<hbm>>
    tpu.enqueue_dma source(%dma_start3A_37 : memref<64x128xf32, #tpu.memory_space<hbm>>) target(%arg7 : memref<64x128xf32, #tpu.memory_space<vmem>>) target_semaphore(%arg15 : memref<!tpu.dma_semaphore, #tpu.memory_space<semaphore_mem>>)
    %add3A_38 = arith.constant 256 : i32
    %add3A_39 = arith.addi %mul3A_2, %add3A_38 : i32
    %dma_start3A_40 = arith.constant 0 : i32
    %dma_start3A_41 = arith.constant 0 : i32
    %dma_start3A_42 = tpu.memref_slice %arg2[%add3A_39, %dma_start3A_40, %dma_start3A_41] : memref<16384x16x128xf32, #tpu.memory_space<hbm>> -> memref<64x1x128xf32, #tpu.memory_space<hbm>>
    %dma_start3A_43 = tpu.memref_squeeze %dma_start3A_42 : memref<64x1x128xf32, #tpu.memory_space<hbm>> -> memref<64x128xf32, #tpu.memory_space<hbm>>
    %dma_start3A_44 = arith.constant 0 : i32
    %dma_start3A_45 = tpu.memref_slice %arg2[%add3A_39, %dma_start3A_40, %dma_start3A_44] : memref<16384x16x128xf32, #tpu.memory_space<hbm>> -> memref<64x1x128xf32, #tpu.memory_space<hbm>>
    %dma_start3A_46 = tpu.memref_squeeze %dma_start3A_45 : memref<64x1x128xf32, #tpu.memory_space<hbm>> -> memref<64x128xf32, #tpu.memory_space<hbm>>
    tpu.enqueue_dma source(%dma_start3A_46 : memref<64x128xf32, #tpu.memory_space<hbm>>) target(%arg8 : memref<64x128xf32, #tpu.memory_space<vmem>>) target_semaphore(%arg16 : memref<!tpu.dma_semaphore, #tpu.memory_space<semaphore_mem>>)
    %add3A_47 = arith.constant 320 : i32
    %add3A_48 = arith.addi %mul3A_2, %add3A_47 : i32
    %dma_start3A_49 = arith.constant 0 : i32
    %dma_start3A_50 = arith.constant 0 : i32
    %dma_start3A_51 = tpu.memref_slice %arg2[%add3A_48, %dma_start3A_49, %dma_start3A_50] : memref<16384x16x128xf32, #tpu.memory_space<hbm>> -> memref<64x1x128xf32, #tpu.memory_space<hbm>>
    %dma_start3A_52 = tpu.memref_squeeze %dma_start3A_51 : memref<64x1x128xf32, #tpu.memory_space<hbm>> -> memref<64x128xf32, #tpu.memory_space<hbm>>
    %dma_start3A_53 = arith.constant 0 : i32
    %dma_start3A_54 = tpu.memref_slice %arg2[%add3A_48, %dma_start3A_49, %dma_start3A_53] : memref<16384x16x128xf32, #tpu.memory_space<hbm>> -> memref<64x1x128xf32, #tpu.memory_space<hbm>>
    %dma_start3A_55 = tpu.memref_squeeze %dma_start3A_54 : memref<64x1x128xf32, #tpu.memory_space<hbm>> -> memref<64x128xf32, #tpu.memory_space<hbm>>
    tpu.enqueue_dma source(%dma_start3A_55 : memref<64x128xf32, #tpu.memory_space<hbm>>) target(%arg9 : memref<64x128xf32, #tpu.memory_space<vmem>>) target_semaphore(%arg17 : memref<!tpu.dma_semaphore, #tpu.memory_space<semaphore_mem>>)
    %add3A_56 = arith.constant 384 : i32
    %add3A_57 = arith.addi %mul3A_2, %add3A_56 : i32
    %dma_start3A_58 = arith.constant 0 : i32
    %dma_start3A_59 = arith.constant 0 : i32
    %dma_start3A_60 = tpu.memref_slice %arg2[%add3A_57, %dma_start3A_58, %dma_start3A_59] : memref<16384x16x128xf32, #tpu.memory_space<hbm>> -> memref<64x1x128xf32, #tpu.memory_space<hbm>>
    %dma_start3A_61 = tpu.memref_squeeze %dma_start3A_60 : memref<64x1x128xf32, #tpu.memory_space<hbm>> -> memref<64x128xf32, #tpu.memory_space<hbm>>
    %dma_start3A_62 = arith.constant 0 : i32
    %dma_start3A_63 = tpu.memref_slice %arg2[%add3A_57, %dma_start3A_58, %dma_start3A_62] : memref<16384x16x128xf32, #tpu.memory_space<hbm>> -> memref<64x1x128xf32, #tpu.memory_space<hbm>>
    %dma_start3A_64 = tpu.memref_squeeze %dma_start3A_63 : memref<64x1x128xf32, #tpu.memory_space<hbm>> -> memref<64x128xf32, #tpu.memory_space<hbm>>
    tpu.enqueue_dma source(%dma_start3A_64 : memref<64x128xf32, #tpu.memory_space<hbm>>) target(%arg10 : memref<64x128xf32, #tpu.memory_space<vmem>>) target_semaphore(%arg18 : memref<!tpu.dma_semaphore, #tpu.memory_space<semaphore_mem>>)
    %add3A_65 = arith.constant 448 : i32
    %add3A_66 = arith.addi %mul3A_2, %add3A_65 : i32
    %dma_start3A_67 = arith.constant 0 : i32
    %dma_start3A_68 = arith.constant 0 : i32
    %dma_start3A_69 = tpu.memref_slice %arg2[%add3A_66, %dma_start3A_67, %dma_start3A_68] : memref<16384x16x128xf32, #tpu.memory_space<hbm>> -> memref<64x1x128xf32, #tpu.memory_space<hbm>>
    %dma_start3A_70 = tpu.memref_squeeze %dma_start3A_69 : memref<64x1x128xf32, #tpu.memory_space<hbm>> -> memref<64x128xf32, #tpu.memory_space<hbm>>
    %dma_start3A_71 = arith.constant 0 : i32
    %dma_start3A_72 = tpu.memref_slice %arg2[%add3A_66, %dma_start3A_67, %dma_start3A_71] : memref<16384x16x128xf32, #tpu.memory_space<hbm>> -> memref<64x1x128xf32, #tpu.memory_space<hbm>>
    %dma_start3A_73 = tpu.memref_squeeze %dma_start3A_72 : memref<64x1x128xf32, #tpu.memory_space<hbm>> -> memref<64x128xf32, #tpu.memory_space<hbm>>
    tpu.enqueue_dma source(%dma_start3A_73 : memref<64x128xf32, #tpu.memory_space<hbm>>) target(%arg11 : memref<64x128xf32, #tpu.memory_space<vmem>>) target_semaphore(%arg19 : memref<!tpu.dma_semaphore, #tpu.memory_space<semaphore_mem>>)
    %dma_wait3A = arith.constant 0 : i32
    %dma_wait3A_74 = arith.constant 0 : i32
    %dma_wait3A_75 = tpu.memref_slice %arg2[%add3A_4, %dma_wait3A, %dma_wait3A_74] : memref<16384x16x128xf32, #tpu.memory_space<hbm>> -> memref<64x1x128xf32, #tpu.memory_space<hbm>>
    %dma_wait3A_76 = tpu.memref_squeeze %dma_wait3A_75 : memref<64x1x128xf32, #tpu.memory_space<hbm>> -> memref<64x128xf32, #tpu.memory_space<hbm>>
    %dma_wait3A_77 = arith.constant 0 : i32
    %dma_wait3A_78 = tpu.memref_slice %arg2[%add3A_4, %dma_wait3A, %dma_wait3A_77] : memref<16384x16x128xf32, #tpu.memory_space<hbm>> -> memref<64x1x128xf32, #tpu.memory_space<hbm>>
    %dma_wait3A_79 = tpu.memref_squeeze %dma_wait3A_78 : memref<64x1x128xf32, #tpu.memory_space<hbm>> -> memref<64x128xf32, #tpu.memory_space<hbm>>
    tpu.wait_dma2 semaphore(%arg12 : memref<!tpu.dma_semaphore, #tpu.memory_space<semaphore_mem>>) src(%dma_wait3A_79 : memref<64x128xf32, #tpu.memory_space<hbm>>) dst(%arg4 : memref<64x128xf32, #tpu.memory_space<vmem>>)
    %add3A_80 = arith.constant 0 : i32
    %add3A_81 = arith.addi %mul3A_2, %add3A_80 : i32
    %dma_start3A_82 = arith.constant 0 : i32
    %dma_start3A_83 = tpu.memref_slice %arg3[%add3A_81, %dma_start3A_82] : memref<16384x128xf32, #tpu.memory_space<hbm>> -> memref<64x128xf32, #tpu.memory_space<hbm>>
    %dma_start3A_84 = arith.constant 0 : i32
    %dma_start3A_85 = tpu.memref_slice %arg3[%add3A_81, %dma_start3A_84] : memref<16384x128xf32, #tpu.memory_space<hbm>> -> memref<64x128xf32, #tpu.memory_space<hbm>>
    tpu.enqueue_dma source(%arg4 : memref<64x128xf32, #tpu.memory_space<vmem>>) target(%dma_start3A_85 : memref<64x128xf32, #tpu.memory_space<hbm>>) target_semaphore(%arg20 : memref<!tpu.dma_semaphore, #tpu.memory_space<semaphore_mem>>)
    %dma_wait3A_86 = arith.constant 0 : i32
    %dma_wait3A_87 = arith.constant 0 : i32
    %dma_wait3A_88 = tpu.memref_slice %arg2[%add3A_12, %dma_wait3A_86, %dma_wait3A_87] : memref<16384x16x128xf32, #tpu.memory_space<hbm>> -> memref<64x1x128xf32, #tpu.memory_space<hbm>>
    %dma_wait3A_89 = tpu.memref_squeeze %dma_wait3A_88 : memref<64x1x128xf32, #tpu.memory_space<hbm>> -> memref<64x128xf32, #tpu.memory_space<hbm>>
    %dma_wait3A_90 = arith.constant 0 : i32
    %dma_wait3A_91 = tpu.memref_slice %arg2[%add3A_12, %dma_wait3A_86, %dma_wait3A_90] : memref<16384x16x128xf32, #tpu.memory_space<hbm>> -> memref<64x1x128xf32, #tpu.memory_space<hbm>>
    %dma_wait3A_92 = tpu.memref_squeeze %dma_wait3A_91 : memref<64x1x128xf32, #tpu.memory_space<hbm>> -> memref<64x128xf32, #tpu.memory_space<hbm>>
    tpu.wait_dma2 semaphore(%arg13 : memref<!tpu.dma_semaphore, #tpu.memory_space<semaphore_mem>>) src(%dma_wait3A_92 : memref<64x128xf32, #tpu.memory_space<hbm>>) dst(%arg5 : memref<64x128xf32, #tpu.memory_space<vmem>>)
    %add3A_93 = arith.constant 64 : i32
    %add3A_94 = arith.addi %mul3A_2, %add3A_93 : i32
    %dma_start3A_95 = arith.constant 0 : i32
    %dma_start3A_96 = tpu.memref_slice %arg3[%add3A_94, %dma_start3A_95] : memref<16384x128xf32, #tpu.memory_space<hbm>> -> memref<64x128xf32, #tpu.memory_space<hbm>>
    %dma_start3A_97 = arith.constant 0 : i32
    %dma_start3A_98 = tpu.memref_slice %arg3[%add3A_94, %dma_start3A_97] : memref<16384x128xf32, #tpu.memory_space<hbm>> -> memref<64x128xf32, #tpu.memory_space<hbm>>
    tpu.enqueue_dma source(%arg5 : memref<64x128xf32, #tpu.memory_space<vmem>>) target(%dma_start3A_98 : memref<64x128xf32, #tpu.memory_space<hbm>>) target_semaphore(%arg21 : memref<!tpu.dma_semaphore, #tpu.memory_space<semaphore_mem>>)
    %dma_wait3A_99 = arith.constant 0 : i32
    %dma_wait3A_100 = arith.constant 0 : i32
    %dma_wait3A_101 = tpu.memref_slice %arg2[%add3A_21, %dma_wait3A_99, %dma_wait3A_100] : memref<16384x16x128xf32, #tpu.memory_space<hbm>> -> memref<64x1x128xf32, #tpu.memory_space<hbm>>
    %dma_wait3A_102 = tpu.memref_squeeze %dma_wait3A_101 : memref<64x1x128xf32, #tpu.memory_space<hbm>> -> memref<64x128xf32, #tpu.memory_space<hbm>>
    %dma_wait3A_103 = arith.constant 0 : i32
    %dma_wait3A_104 = tpu.memref_slice %arg2[%add3A_21, %dma_wait3A_99, %dma_wait3A_103] : memref<16384x16x128xf32, #tpu.memory_space<hbm>> -> memref<64x1x128xf32, #tpu.memory_space<hbm>>
    %dma_wait3A_105 = tpu.memref_squeeze %dma_wait3A_104 : memref<64x1x128xf32, #tpu.memory_space<hbm>> -> memref<64x128xf32, #tpu.memory_space<hbm>>
    tpu.wait_dma2 semaphore(%arg14 : memref<!tpu.dma_semaphore, #tpu.memory_space<semaphore_mem>>) src(%dma_wait3A_105 : memref<64x128xf32, #tpu.memory_space<hbm>>) dst(%arg6 : memref<64x128xf32, #tpu.memory_space<vmem>>)
    %add3A_106 = arith.constant 128 : i32
    %add3A_107 = arith.addi %mul3A_2, %add3A_106 : i32
    %dma_start3A_108 = arith.constant 0 : i32
    %dma_start3A_109 = tpu.memref_slice %arg3[%add3A_107, %dma_start3A_108] : memref<16384x128xf32, #tpu.memory_space<hbm>> -> memref<64x128xf32, #tpu.memory_space<hbm>>
    %dma_start3A_110 = arith.constant 0 : i32
    %dma_start3A_111 = tpu.memref_slice %arg3[%add3A_107, %dma_start3A_110] : memref<16384x128xf32, #tpu.memory_space<hbm>> -> memref<64x128xf32, #tpu.memory_space<hbm>>
    tpu.enqueue_dma source(%arg6 : memref<64x128xf32, #tpu.memory_space<vmem>>) target(%dma_start3A_111 : memref<64x128xf32, #tpu.memory_space<hbm>>) target_semaphore(%arg22 : memref<!tpu.dma_semaphore, #tpu.memory_space<semaphore_mem>>)
    %dma_wait3A_112 = arith.constant 0 : i32
    %dma_wait3A_113 = arith.constant 0 : i32
    %dma_wait3A_114 = tpu.memref_slice %arg2[%add3A_30, %dma_wait3A_112, %dma_wait3A_113] : memref<16384x16x128xf32, #tpu.memory_space<hbm>> -> memref<64x1x128xf32, #tpu.memory_space<hbm>>
    %dma_wait3A_115 = tpu.memref_squeeze %dma_wait3A_114 : memref<64x1x128xf32, #tpu.memory_space<hbm>> -> memref<64x128xf32, #tpu.memory_space<hbm>>
    %dma_wait3A_116 = arith.constant 0 : i32
    %dma_wait3A_117 = tpu.memref_slice %arg2[%add3A_30, %dma_wait3A_112, %dma_wait3A_116] : memref<16384x16x128xf32, #tpu.memory_space<hbm>> -> memref<64x1x128xf32, #tpu.memory_space<hbm>>
    %dma_wait3A_118 = tpu.memref_squeeze %dma_wait3A_117 : memref<64x1x128xf32, #tpu.memory_space<hbm>> -> memref<64x128xf32, #tpu.memory_space<hbm>>
    tpu.wait_dma2 semaphore(%arg15 : memref<!tpu.dma_semaphore, #tpu.memory_space<semaphore_mem>>) src(%dma_wait3A_118 : memref<64x128xf32, #tpu.memory_space<hbm>>) dst(%arg7 : memref<64x128xf32, #tpu.memory_space<vmem>>)
    %add3A_119 = arith.constant 192 : i32
    %add3A_120 = arith.addi %mul3A_2, %add3A_119 : i32
    %dma_start3A_121 = arith.constant 0 : i32
    %dma_start3A_122 = tpu.memref_slice %arg3[%add3A_120, %dma_start3A_121] : memref<16384x128xf32, #tpu.memory_space<hbm>> -> memref<64x128xf32, #tpu.memory_space<hbm>>
    %dma_start3A_123 = arith.constant 0 : i32
    %dma_start3A_124 = tpu.memref_slice %arg3[%add3A_120, %dma_start3A_123] : memref<16384x128xf32, #tpu.memory_space<hbm>> -> memref<64x128xf32, #tpu.memory_space<hbm>>
    tpu.enqueue_dma source(%arg7 : memref<64x128xf32, #tpu.memory_space<vmem>>) target(%dma_start3A_124 : memref<64x128xf32, #tpu.memory_space<hbm>>) target_semaphore(%arg23 : memref<!tpu.dma_semaphore, #tpu.memory_space<semaphore_mem>>)
    %dma_wait3A_125 = arith.constant 0 : i32
    %dma_wait3A_126 = arith.constant 0 : i32
    %dma_wait3A_127 = tpu.memref_slice %arg2[%add3A_39, %dma_wait3A_125, %dma_wait3A_126] : memref<16384x16x128xf32, #tpu.memory_space<hbm>> -> memref<64x1x128xf32, #tpu.memory_space<hbm>>
    %dma_wait3A_128 = tpu.memref_squeeze %dma_wait3A_127 : memref<64x1x128xf32, #tpu.memory_space<hbm>> -> memref<64x128xf32, #tpu.memory_space<hbm>>
    %dma_wait3A_129 = arith.constant 0 : i32
    %dma_wait3A_130 = tpu.memref_slice %arg2[%add3A_39, %dma_wait3A_125, %dma_wait3A_129] : memref<16384x16x128xf32, #tpu.memory_space<hbm>> -> memref<64x1x128xf32, #tpu.memory_space<hbm>>
    %dma_wait3A_131 = tpu.memref_squeeze %dma_wait3A_130 : memref<64x1x128xf32, #tpu.memory_space<hbm>> -> memref<64x128xf32, #tpu.memory_space<hbm>>
    tpu.wait_dma2 semaphore(%arg16 : memref<!tpu.dma_semaphore, #tpu.memory_space<semaphore_mem>>) src(%dma_wait3A_131 : memref<64x128xf32, #tpu.memory_space<hbm>>) dst(%arg8 : memref<64x128xf32, #tpu.memory_space<vmem>>)
    %add3A_132 = arith.constant 256 : i32
    %add3A_133 = arith.addi %mul3A_2, %add3A_132 : i32
    %dma_start3A_134 = arith.constant 0 : i32
    %dma_start3A_135 = tpu.memref_slice %arg3[%add3A_133, %dma_start3A_134] : memref<16384x128xf32, #tpu.memory_space<hbm>> -> memref<64x128xf32, #tpu.memory_space<hbm>>
    %dma_start3A_136 = arith.constant 0 : i32
    %dma_start3A_137 = tpu.memref_slice %arg3[%add3A_133, %dma_start3A_136] : memref<16384x128xf32, #tpu.memory_space<hbm>> -> memref<64x128xf32, #tpu.memory_space<hbm>>
    tpu.enqueue_dma source(%arg8 : memref<64x128xf32, #tpu.memory_space<vmem>>) target(%dma_start3A_137 : memref<64x128xf32, #tpu.memory_space<hbm>>) target_semaphore(%arg24 : memref<!tpu.dma_semaphore, #tpu.memory_space<semaphore_mem>>)
    %dma_wait3A_138 = arith.constant 0 : i32
    %dma_wait3A_139 = arith.constant 0 : i32
    %dma_wait3A_140 = tpu.memref_slice %arg2[%add3A_48, %dma_wait3A_138, %dma_wait3A_139] : memref<16384x16x128xf32, #tpu.memory_space<hbm>> -> memref<64x1x128xf32, #tpu.memory_space<hbm>>
    %dma_wait3A_141 = tpu.memref_squeeze %dma_wait3A_140 : memref<64x1x128xf32, #tpu.memory_space<hbm>> -> memref<64x128xf32, #tpu.memory_space<hbm>>
    %dma_wait3A_142 = arith.constant 0 : i32
    %dma_wait3A_143 = tpu.memref_slice %arg2[%add3A_48, %dma_wait3A_138, %dma_wait3A_142] : memref<16384x16x128xf32, #tpu.memory_space<hbm>> -> memref<64x1x128xf32, #tpu.memory_space<hbm>>
    %dma_wait3A_144 = tpu.memref_squeeze %dma_wait3A_143 : memref<64x1x128xf32, #tpu.memory_space<hbm>> -> memref<64x128xf32, #tpu.memory_space<hbm>>
    tpu.wait_dma2 semaphore(%arg17 : memref<!tpu.dma_semaphore, #tpu.memory_space<semaphore_mem>>) src(%dma_wait3A_144 : memref<64x128xf32, #tpu.memory_space<hbm>>) dst(%arg9 : memref<64x128xf32, #tpu.memory_space<vmem>>)
    %add3A_145 = arith.constant 320 : i32
    %add3A_146 = arith.addi %mul3A_2, %add3A_145 : i32
    %dma_start3A_147 = arith.constant 0 : i32
    %dma_start3A_148 = tpu.memref_slice %arg3[%add3A_146, %dma_start3A_147] : memref<16384x128xf32, #tpu.memory_space<hbm>> -> memref<64x128xf32, #tpu.memory_space<hbm>>
    %dma_start3A_149 = arith.constant 0 : i32
    %dma_start3A_150 = tpu.memref_slice %arg3[%add3A_146, %dma_start3A_149] : memref<16384x128xf32, #tpu.memory_space<hbm>> -> memref<64x128xf32, #tpu.memory_space<hbm>>
    tpu.enqueue_dma source(%arg9 : memref<64x128xf32, #tpu.memory_space<vmem>>) target(%dma_start3A_150 : memref<64x128xf32, #tpu.memory_space<hbm>>) target_semaphore(%arg25 : memref<!tpu.dma_semaphore, #tpu.memory_space<semaphore_mem>>)
    %dma_wait3A_151 = arith.constant 0 : i32
    %dma_wait3A_152 = arith.constant 0 : i32
    %dma_wait3A_153 = tpu.memref_slice %arg2[%add3A_57, %dma_wait3A_151, %dma_wait3A_152] : memref<16384x16x128xf32, #tpu.memory_space<hbm>> -> memref<64x1x128xf32, #tpu.memory_space<hbm>>
    %dma_wait3A_154 = tpu.memref_squeeze %dma_wait3A_153 : memref<64x1x128xf32, #tpu.memory_space<hbm>> -> memref<64x128xf32, #tpu.memory_space<hbm>>
    %dma_wait3A_155 = arith.constant 0 : i32
    %dma_wait3A_156 = tpu.memref_slice %arg2[%add3A_57, %dma_wait3A_151, %dma_wait3A_155] : memref<16384x16x128xf32, #tpu.memory_space<hbm>> -> memref<64x1x128xf32, #tpu.memory_space<hbm>>
    %dma_wait3A_157 = tpu.memref_squeeze %dma_wait3A_156 : memref<64x1x128xf32, #tpu.memory_space<hbm>> -> memref<64x128xf32, #tpu.memory_space<hbm>>
    tpu.wait_dma2 semaphore(%arg18 : memref<!tpu.dma_semaphore, #tpu.memory_space<semaphore_mem>>) src(%dma_wait3A_157 : memref<64x128xf32, #tpu.memory_space<hbm>>) dst(%arg10 : memref<64x128xf32, #tpu.memory_space<vmem>>)
    %add3A_158 = arith.constant 384 : i32
    %add3A_159 = arith.addi %mul3A_2, %add3A_158 : i32
    %dma_start3A_160 = arith.constant 0 : i32
    %dma_start3A_161 = tpu.memref_slice %arg3[%add3A_159, %dma_start3A_160] : memref<16384x128xf32, #tpu.memory_space<hbm>> -> memref<64x128xf32, #tpu.memory_space<hbm>>
    %dma_start3A_162 = arith.constant 0 : i32
    %dma_start3A_163 = tpu.memref_slice %arg3[%add3A_159, %dma_start3A_162] : memref<16384x128xf32, #tpu.memory_space<hbm>> -> memref<64x128xf32, #tpu.memory_space<hbm>>
    tpu.enqueue_dma source(%arg10 : memref<64x128xf32, #tpu.memory_space<vmem>>) target(%dma_start3A_163 : memref<64x128xf32, #tpu.memory_space<hbm>>) target_semaphore(%arg26 : memref<!tpu.dma_semaphore, #tpu.memory_space<semaphore_mem>>)
    %dma_wait3A_164 = arith.constant 0 : i32
    %dma_wait3A_165 = arith.constant 0 : i32
    %dma_wait3A_166 = tpu.memref_slice %arg2[%add3A_66, %dma_wait3A_164, %dma_wait3A_165] : memref<16384x16x128xf32, #tpu.memory_space<hbm>> -> memref<64x1x128xf32, #tpu.memory_space<hbm>>
    %dma_wait3A_167 = tpu.memref_squeeze %dma_wait3A_166 : memref<64x1x128xf32, #tpu.memory_space<hbm>> -> memref<64x128xf32, #tpu.memory_space<hbm>>
    %dma_wait3A_168 = arith.constant 0 : i32
    %dma_wait3A_169 = tpu.memref_slice %arg2[%add3A_66, %dma_wait3A_164, %dma_wait3A_168] : memref<16384x16x128xf32, #tpu.memory_space<hbm>> -> memref<64x1x128xf32, #tpu.memory_space<hbm>>
    %dma_wait3A_170 = tpu.memref_squeeze %dma_wait3A_169 : memref<64x1x128xf32, #tpu.memory_space<hbm>> -> memref<64x128xf32, #tpu.memory_space<hbm>>
    tpu.wait_dma2 semaphore(%arg19 : memref<!tpu.dma_semaphore, #tpu.memory_space<semaphore_mem>>) src(%dma_wait3A_170 : memref<64x128xf32, #tpu.memory_space<hbm>>) dst(%arg11 : memref<64x128xf32, #tpu.memory_space<vmem>>)
    %add3A_171 = arith.constant 448 : i32
    %add3A_172 = arith.addi %mul3A_2, %add3A_171 : i32
    %dma_start3A_173 = arith.constant 0 : i32
    %dma_start3A_174 = tpu.memref_slice %arg3[%add3A_172, %dma_start3A_173] : memref<16384x128xf32, #tpu.memory_space<hbm>> -> memref<64x128xf32, #tpu.memory_space<hbm>>
    %dma_start3A_175 = arith.constant 0 : i32
    %dma_start3A_176 = tpu.memref_slice %arg3[%add3A_172, %dma_start3A_175] : memref<16384x128xf32, #tpu.memory_space<hbm>> -> memref<64x128xf32, #tpu.memory_space<hbm>>
    tpu.enqueue_dma source(%arg11 : memref<64x128xf32, #tpu.memory_space<vmem>>) target(%dma_start3A_176 : memref<64x128xf32, #tpu.memory_space<hbm>>) target_semaphore(%arg27 : memref<!tpu.dma_semaphore, #tpu.memory_space<semaphore_mem>>)
    %dma_wait3A_177 = arith.constant 0 : i32
    %dma_wait3A_178 = tpu.memref_slice %arg3[%add3A_81, %dma_wait3A_177] : memref<16384x128xf32, #tpu.memory_space<hbm>> -> memref<64x128xf32, #tpu.memory_space<hbm>>
    %dma_wait3A_179 = arith.constant 0 : i32
    %dma_wait3A_180 = tpu.memref_slice %arg3[%add3A_81, %dma_wait3A_179] : memref<16384x128xf32, #tpu.memory_space<hbm>> -> memref<64x128xf32, #tpu.memory_space<hbm>>
    tpu.wait_dma2 semaphore(%arg20 : memref<!tpu.dma_semaphore, #tpu.memory_space<semaphore_mem>>) src(%arg4 : memref<64x128xf32, #tpu.memory_space<vmem>>) dst(%dma_wait3A_180 : memref<64x128xf32, #tpu.memory_space<hbm>>)
    %dma_wait3A_181 = arith.constant 0 : i32
    %dma_wait3A_182 = tpu.memref_slice %arg3[%add3A_94, %dma_wait3A_181] : memref<16384x128xf32, #tpu.memory_space<hbm>> -> memref<64x128xf32, #tpu.memory_space<hbm>>
    %dma_wait3A_183 = arith.constant 0 : i32
    %dma_wait3A_184 = tpu.memref_slice %arg3[%add3A_94, %dma_wait3A_183] : memref<16384x128xf32, #tpu.memory_space<hbm>> -> memref<64x128xf32, #tpu.memory_space<hbm>>
    tpu.wait_dma2 semaphore(%arg21 : memref<!tpu.dma_semaphore, #tpu.memory_space<semaphore_mem>>) src(%arg5 : memref<64x128xf32, #tpu.memory_space<vmem>>) dst(%dma_wait3A_184 : memref<64x128xf32, #tpu.memory_space<hbm>>)
    %dma_wait3A_185 = arith.constant 0 : i32
    %dma_wait3A_186 = tpu.memref_slice %arg3[%add3A_107, %dma_wait3A_185] : memref<16384x128xf32, #tpu.memory_space<hbm>> -> memref<64x128xf32, #tpu.memory_space<hbm>>
    %dma_wait3A_187 = arith.constant 0 : i32
    %dma_wait3A_188 = tpu.memref_slice %arg3[%add3A_107, %dma_wait3A_187] : memref<16384x128xf32, #tpu.memory_space<hbm>> -> memref<64x128xf32, #tpu.memory_space<hbm>>
    tpu.wait_dma2 semaphore(%arg22 : memref<!tpu.dma_semaphore, #tpu.memory_space<semaphore_mem>>) src(%arg6 : memref<64x128xf32, #tpu.memory_space<vmem>>) dst(%dma_wait3A_188 : memref<64x128xf32, #tpu.memory_space<hbm>>)
    %dma_wait3A_189 = arith.constant 0 : i32
    %dma_wait3A_190 = tpu.memref_slice %arg3[%add3A_120, %dma_wait3A_189] : memref<16384x128xf32, #tpu.memory_space<hbm>> -> memref<64x128xf32, #tpu.memory_space<hbm>>
    %dma_wait3A_191 = arith.constant 0 : i32
    %dma_wait3A_192 = tpu.memref_slice %arg3[%add3A_120, %dma_wait3A_191] : memref<16384x128xf32, #tpu.memory_space<hbm>> -> memref<64x128xf32, #tpu.memory_space<hbm>>
    tpu.wait_dma2 semaphore(%arg23 : memref<!tpu.dma_semaphore, #tpu.memory_space<semaphore_mem>>) src(%arg7 : memref<64x128xf32, #tpu.memory_space<vmem>>) dst(%dma_wait3A_192 : memref<64x128xf32, #tpu.memory_space<hbm>>)
    %dma_wait3A_193 = arith.constant 0 : i32
    %dma_wait3A_194 = tpu.memref_slice %arg3[%add3A_133, %dma_wait3A_193] : memref<16384x128xf32, #tpu.memory_space<hbm>> -> memref<64x128xf32, #tpu.memory_space<hbm>>
    %dma_wait3A_195 = arith.constant 0 : i32
    %dma_wait3A_196 = tpu.memref_slice %arg3[%add3A_133, %dma_wait3A_195] : memref<16384x128xf32, #tpu.memory_space<hbm>> -> memref<64x128xf32, #tpu.memory_space<hbm>>
    tpu.wait_dma2 semaphore(%arg24 : memref<!tpu.dma_semaphore, #tpu.memory_space<semaphore_mem>>) src(%arg8 : memref<64x128xf32, #tpu.memory_space<vmem>>) dst(%dma_wait3A_196 : memref<64x128xf32, #tpu.memory_space<hbm>>)
    %dma_wait3A_197 = arith.constant 0 : i32
    %dma_wait3A_198 = tpu.memref_slice %arg3[%add3A_146, %dma_wait3A_197] : memref<16384x128xf32, #tpu.memory_space<hbm>> -> memref<64x128xf32, #tpu.memory_space<hbm>>
    %dma_wait3A_199 = arith.constant 0 : i32
    %dma_wait3A_200 = tpu.memref_slice %arg3[%add3A_146, %dma_wait3A_199] : memref<16384x128xf32, #tpu.memory_space<hbm>> -> memref<64x128xf32, #tpu.memory_space<hbm>>
    tpu.wait_dma2 semaphore(%arg25 : memref<!tpu.dma_semaphore, #tpu.memory_space<semaphore_mem>>) src(%arg9 : memref<64x128xf32, #tpu.memory_space<vmem>>) dst(%dma_wait3A_200 : memref<64x128xf32, #tpu.memory_space<hbm>>)
    %dma_wait3A_201 = arith.constant 0 : i32
    %dma_wait3A_202 = tpu.memref_slice %arg3[%add3A_159, %dma_wait3A_201] : memref<16384x128xf32, #tpu.memory_space<hbm>> -> memref<64x128xf32, #tpu.memory_space<hbm>>
    %dma_wait3A_203 = arith.constant 0 : i32
    %dma_wait3A_204 = tpu.memref_slice %arg3[%add3A_159, %dma_wait3A_203] : memref<16384x128xf32, #tpu.memory_space<hbm>> -> memref<64x128xf32, #tpu.memory_space<hbm>>
    tpu.wait_dma2 semaphore(%arg26 : memref<!tpu.dma_semaphore, #tpu.memory_space<semaphore_mem>>) src(%arg10 : memref<64x128xf32, #tpu.memory_space<vmem>>) dst(%dma_wait3A_204 : memref<64x128xf32, #tpu.memory_space<hbm>>)
    %dma_wait3A_205 = arith.constant 0 : i32
    %dma_wait3A_206 = tpu.memref_slice %arg3[%add3A_172, %dma_wait3A_205] : memref<16384x128xf32, #tpu.memory_space<hbm>> -> memref<64x128xf32, #tpu.memory_space<hbm>>
    %dma_wait3A_207 = arith.constant 0 : i32
    %dma_wait3A_208 = tpu.memref_slice %arg3[%add3A_172, %dma_wait3A_207] : memref<16384x128xf32, #tpu.memory_space<hbm>> -> memref<64x128xf32, #tpu.memory_space<hbm>>
    tpu.wait_dma2 semaphore(%arg27 : memref<!tpu.dma_semaphore, #tpu.memory_space<semaphore_mem>>) src(%arg11 : memref<64x128xf32, #tpu.memory_space<vmem>>) dst(%dma_wait3A_208 : memref<64x128xf32, #tpu.memory_space<hbm>>)
    return
  }
}

module attributes {stable_mosaic.version = 14 : i64} {
  func.func @_tc_body(%arg0: i32, %arg1: memref<1x4x256x1x1x128xf32, #tpu.memory_space<vmem>>, %arg2: memref<1x4x256x1x1x128xf32, #tpu.memory_space<vmem>>, %arg3: memref<1x4x256x1x1x128xf32, #tpu.memory_space<vmem>>, %arg4: memref<1x4x256x1x1x128xf32, #tpu.memory_space<vmem>>, %arg5: memref<4x4x256x128xf32, #tpu.memory_space<vmem>>) attributes {dimension_semantics = [#tpu.dimension_semantics<arbitrary>], iteration_bounds = array<i64: 4>, scalar_prefetch = 0 : i64, scratch_operands = 0 : i64, tpu.core_type = #tpu.core_type<tc>, window_params = [{transform_indices = @transform_0, window_bounds = array<i64: 1, 4, 256, 1, 1, 128>}, {transform_indices = @transform_1, window_bounds = array<i64: 1, 4, 256, 1, 1, 128>}, {transform_indices = @transform_2, window_bounds = array<i64: 1, 4, 256, 1, 1, 128>}, {transform_indices = @transform_3, window_bounds = array<i64: 1, 4, 256, 1, 1, 128>}, {transform_indices = @transform_4, window_bounds = array<i64: 4, 4, 256, 128>}]} {
    %get3A = arith.constant 0 : index
    %get3A_0 = arith.constant 0 : index
    %get3A_1 = arith.constant 0 : index
    %get3A_2 = arith.constant 0 : index
    %get3A_3 = arith.constant 0 : index
    %get3A_4 = arith.constant 0 : index
    %get3A_5 = vector.load %arg1[%get3A, %get3A_0, %get3A_1, %get3A_2, %get3A_3, %get3A_4] : memref<1x4x256x1x1x128xf32, #tpu.memory_space<vmem>>, vector<1x4x256x1x1x128xf32>
    %get3A_6 = vector.shape_cast %get3A_5 : vector<1x4x256x1x1x128xf32> to vector<4x256x128xf32>
    %swap3A = arith.constant 0 : index
    %swap3A_7 = arith.constant 0 : index
    %swap3A_8 = arith.constant 0 : index
    %swap3A_9 = arith.constant 0 : index
    %swap3A_10 = vector.load %arg5[%swap3A, %swap3A_7, %swap3A_8, %swap3A_9] : memref<4x4x256x128xf32, #tpu.memory_space<vmem>>, vector<1x4x256x128xf32>
    %swap3A_11 = vector.shape_cast %swap3A_10 : vector<1x4x256x128xf32> to vector<4x256x128xf32>
    %swap3A_12 = vector.shape_cast %get3A_6 : vector<4x256x128xf32> to vector<1x4x256x128xf32>
    tpu.vector_store %arg5[%swap3A, %swap3A_7, %swap3A_8, %swap3A_9], %swap3A_12 {strides = array<i32>} : memref<4x4x256x128xf32, #tpu.memory_space<vmem>>, vector<1x4x256x128xf32>,
    %get3A_13 = arith.constant 0 : index
    %get3A_14 = arith.constant 0 : index
    %get3A_15 = arith.constant 0 : index
    %get3A_16 = arith.constant 0 : index
    %get3A_17 = arith.constant 0 : index
    %get3A_18 = arith.constant 0 : index
    %get3A_19 = vector.load %arg2[%get3A_13, %get3A_14, %get3A_15, %get3A_16, %get3A_17, %get3A_18] : memref<1x4x256x1x1x128xf32, #tpu.memory_space<vmem>>, vector<1x4x256x1x1x128xf32>
    %get3A_20 = vector.shape_cast %get3A_19 : vector<1x4x256x1x1x128xf32> to vector<4x256x128xf32>
    %swap3A_21 = arith.constant 1 : index
    %swap3A_22 = arith.constant 0 : index
    %swap3A_23 = arith.constant 0 : index
    %swap3A_24 = arith.constant 0 : index
    %swap3A_25 = vector.load %arg5[%swap3A_21, %swap3A_22, %swap3A_23, %swap3A_24] : memref<4x4x256x128xf32, #tpu.memory_space<vmem>>, vector<1x4x256x128xf32>
    %swap3A_26 = vector.shape_cast %swap3A_25 : vector<1x4x256x128xf32> to vector<4x256x128xf32>
    %swap3A_27 = vector.shape_cast %get3A_20 : vector<4x256x128xf32> to vector<1x4x256x128xf32>
    tpu.vector_store %arg5[%swap3A_21, %swap3A_22, %swap3A_23, %swap3A_24], %swap3A_27 {strides = array<i32>} : memref<4x4x256x128xf32, #tpu.memory_space<vmem>>, vector<1x4x256x128xf32>,
    %get3A_28 = arith.constant 0 : index
    %get3A_29 = arith.constant 0 : index
    %get3A_30 = arith.constant 0 : index
    %get3A_31 = arith.constant 0 : index
    %get3A_32 = arith.constant 0 : index
    %get3A_33 = arith.constant 0 : index
    %get3A_34 = vector.load %arg3[%get3A_28, %get3A_29, %get3A_30, %get3A_31, %get3A_32, %get3A_33] : memref<1x4x256x1x1x128xf32, #tpu.memory_space<vmem>>, vector<1x4x256x1x1x128xf32>
    %get3A_35 = vector.shape_cast %get3A_34 : vector<1x4x256x1x1x128xf32> to vector<4x256x128xf32>
    %swap3A_36 = arith.constant 2 : index
    %swap3A_37 = arith.constant 0 : index
    %swap3A_38 = arith.constant 0 : index
    %swap3A_39 = arith.constant 0 : index
    %swap3A_40 = vector.load %arg5[%swap3A_36, %swap3A_37, %swap3A_38, %swap3A_39] : memref<4x4x256x128xf32, #tpu.memory_space<vmem>>, vector<1x4x256x128xf32>
    %swap3A_41 = vector.shape_cast %swap3A_40 : vector<1x4x256x128xf32> to vector<4x256x128xf32>
    %swap3A_42 = vector.shape_cast %get3A_35 : vector<4x256x128xf32> to vector<1x4x256x128xf32>
    tpu.vector_store %arg5[%swap3A_36, %swap3A_37, %swap3A_38, %swap3A_39], %swap3A_42 {strides = array<i32>} : memref<4x4x256x128xf32, #tpu.memory_space<vmem>>, vector<1x4x256x128xf32>,
    %get3A_43 = arith.constant 0 : index
    %get3A_44 = arith.constant 0 : index
    %get3A_45 = arith.constant 0 : index
    %get3A_46 = arith.constant 0 : index
    %get3A_47 = arith.constant 0 : index
    %get3A_48 = arith.constant 0 : index
    %get3A_49 = vector.load %arg4[%get3A_43, %get3A_44, %get3A_45, %get3A_46, %get3A_47, %get3A_48] : memref<1x4x256x1x1x128xf32, #tpu.memory_space<vmem>>, vector<1x4x256x1x1x128xf32>
    %get3A_50 = vector.shape_cast %get3A_49 : vector<1x4x256x1x1x128xf32> to vector<4x256x128xf32>
    %swap3A_51 = arith.constant 3 : index
    %swap3A_52 = arith.constant 0 : index
    %swap3A_53 = arith.constant 0 : index
    %swap3A_54 = arith.constant 0 : index
    %swap3A_55 = vector.load %arg5[%swap3A_51, %swap3A_52, %swap3A_53, %swap3A_54] : memref<4x4x256x128xf32, #tpu.memory_space<vmem>>, vector<1x4x256x128xf32>
    %swap3A_56 = vector.shape_cast %swap3A_55 : vector<1x4x256x128xf32> to vector<4x256x128xf32>
    %swap3A_57 = vector.shape_cast %get3A_50 : vector<4x256x128xf32> to vector<1x4x256x128xf32>
    tpu.vector_store %arg5[%swap3A_51, %swap3A_52, %swap3A_53, %swap3A_54], %swap3A_57 {strides = array<i32>} : memref<4x4x256x128xf32, #tpu.memory_space<vmem>>, vector<1x4x256x128xf32>,
    return
  }
  func.func @transform_0(%arg0: i32) -> (i32, i32, i32, i32, i32, i32) {
    %c0_i32 = arith.constant 0 : i32
    %c0_i32_0 = arith.constant 0 : i32
    %c0_i32_1 = arith.constant 0 : i32
    %c0_i32_2 = arith.constant 0 : i32
    %c0_i32_3 = arith.constant 0 : i32
    %c0_i32_4 = arith.constant 0 : i32
    return %c0_i32, %arg0, %c0_i32_0, %c0_i32_1, %c0_i32_2, %c0_i32_3 : i32, i32, i32, i32, i32, i32
  }
  func.func @transform_1(%arg0: i32) -> (i32, i32, i32, i32, i32, i32) {
    %c1_i32 = arith.constant 1 : i32
    %c0_i32 = arith.constant 0 : i32
    %c0_i32_0 = arith.constant 0 : i32
    %c0_i32_1 = arith.constant 0 : i32
    %c0_i32_2 = arith.constant 0 : i32
    %c0_i32_3 = arith.constant 0 : i32
    return %c1_i32, %arg0, %c0_i32, %c0_i32_0, %c0_i32_1, %c0_i32_2 : i32, i32, i32, i32, i32, i32
  }
  func.func @transform_2(%arg0: i32) -> (i32, i32, i32, i32, i32, i32) {
    %c2_i32 = arith.constant 2 : i32
    %c0_i32 = arith.constant 0 : i32
    %c0_i32_0 = arith.constant 0 : i32
    %c0_i32_1 = arith.constant 0 : i32
    %c0_i32_2 = arith.constant 0 : i32
    %c0_i32_3 = arith.constant 0 : i32
    return %c2_i32, %arg0, %c0_i32, %c0_i32_0, %c0_i32_1, %c0_i32_2 : i32, i32, i32, i32, i32, i32
  }
  func.func @transform_3(%arg0: i32) -> (i32, i32, i32, i32, i32, i32) {
    %c3_i32 = arith.constant 3 : i32
    %c0_i32 = arith.constant 0 : i32
    %c0_i32_0 = arith.constant 0 : i32
    %c0_i32_1 = arith.constant 0 : i32
    %c0_i32_2 = arith.constant 0 : i32
    %c0_i32_3 = arith.constant 0 : i32
    return %c3_i32, %arg0, %c0_i32, %c0_i32_0, %c0_i32_1, %c0_i32_2 : i32, i32, i32, i32, i32, i32
  }
  func.func @transform_4(%arg0: i32) -> (i32, i32, i32, i32) {
    %c0_i32 = arith.constant 0 : i32
    %c0_i32_0 = arith.constant 0 : i32
    %c0_i32_1 = arith.constant 0 : i32
    %c0_i32_2 = arith.constant 0 : i32
    return %c0_i32, %arg0, %c0_i32_0, %c0_i32_1 : i32, i32, i32, i32
  }
}

</mosaic_0001>

<sc_bundles>
// kernel: kernel.4.cloned.1.call-start
scs
__scs_entry_jumppad:
0x0: {  	(pc) =	sbr.rel $0x88, $3  }
0x1: {  	(tag) =	ssettag $0x0;
	lr =	simm.s32 $0x1  }
0x2: {  	[smem:$0x3F9F] =	sst lr;
	_ =	strace $0xD0000000  }
0x3: {  	_ = 	snop  }
0x4: {  	_ = 	snop  }
0x5: {  	_ = 	snop  }
0x6: {  	_ = 	snop  }
0x7: {  	_ = 	snop  }
__scs_overlays_trampoline_lowered:
0x8: {  	[smem:$0x3FAE] =	sst s0  }
0x9: {  	[smem:$0x3FAF] =	sst s1  }
0xa: {  	[smem:$0x3FB0] =	sst s2  }
0xb: {  	[smem:$0x3FB1] =	sst s3  }
0xc: {  	[smem:$0x3FB2] =	sst s4  }
0xd: {  	[smem:$0x3FB3] =	sst s5  }
0xe: {  	[smem:$0x3FB4] =	sst s6  }
0xf: {  	[smem:$0x3FB5] =	sst s7  }
0x10: {  	[smem:$0x3FB6] =	sst s8  }
0x11: {  	[smem:$0x3FB7] =	sst s9;
	s0 =	simm.s32 @!p0 $0x0  }
0x12: {  	s1 =	sld [smem:$0x3F9D];
	s0 =	simm.s32 @p0 $0x1  }
0x13: {  	[smem:$0x3FB8] =	sst s0;
	s0 =	simm.s32 @!p1 $0x0  }
0x14: {  	s2 =	sld [smem:$0x3F9C];
	s0 =	simm.s32 @p1 $0x1  }
0x15: {  	[smem:$0x3FB9] =	sst s0;
	s0 =	simm.s32 @!p2 $0x0  }
0x16: {  	s3 =	sld [smem:$0x3FDB];
	s0 =	simm.s32 @p2 $0x1  }
0x17: {  	s4 =	simm.s32 $0x1BF5;
	[smem:$0x3FBB] =	sst s0  }
0x18: {  	s0 =	sld [smem:$0x3F9E];
	_ =	swait.ge [sflag:s4], $0x0  }
0x19: {  	s7 =	sld [smem:$0x3F9F]  }
0x1a: {  	s8 =	sadd.s32 $0xFFFFE003, lr  }
0x1b: {  	s9 =	sadd.s32 $0xFFFFFEF7, lr;
	s5 =	simm.s32 $0xFFFFFFFF;
	p2 =	slt.u32 s8, $0xFFFFF086  }
0x1c: {  	p1 =	slt.u32 s9, $0xF7A;
	s5 =	simm.s32 @!p2 $0x0  }
0x1d: {  	s5 =	simm.s32 @p1 $0x1;
	p0 =	seq.s32 s7, s2  }
0x1e: {  	s7 =	smul.u32 @!p0 $0xF7A, s2;
	p2 =	seq.s32 @!p0 s5, $0x0  }
0x1f: {  	s9 =	smul.u32 $0xF7A, s1;
	s8 =	simm.s32 @!p0 $0x1BF5;
	p2 =	por !p2, p0  }
0x20: {  	[sflag:s8] =	ssyncset.s32 @!p0 $0xFFFFF086;
	s6 =	sadd.s32 @!p0 s3, s7;
	s7 =	simm.s32 @!p0 $0x108  }
0x21: {  	s3 =	sadd.s32 s3, s9;
	s6 =	sadd.s32 @!p0 $0x88, s6;
	s7 =	simm.s32 @p2 $0x1082  }
0x22: {  	[simem:s7], [sflag:s8] =	dma.local @!p0 [hbm:s6], $0xF7A  }
0x23: {  	s9 =	sor.u32 $0xD0000000, s2;
	s6 =	simm.s32 $0x108;
	_ =	swait.ge @!p0 [sflag:s8], $0x0  }
0x24: {  	s3 =	sadd.s32 $0x88, s3;
	s6 =	simm.s32 @!p1 $0x1082;
	[sflag:s4] =	ssyncset.s32 $0xFFFFF086  }
0x25: {  	[simem:s6], [sflag:s4] =	dma.local [hbm:s3], $0xF7A  }
0x26: {  	[smem:$0x3F9F] =	sst s1;
	(tag) =	ssettag s2;
	_ =	strace s9  }
0x27: {  	s1 =	sld [smem:$0x3FAF]  }
0x28: {  	s2 =	sld [smem:$0x3FB0]  }
0x29: {  	s4 =	sld [smem:$0x3FB2]  }
0x2a: {  	p0 =	seq.s32 s5, $0x0;
	s5 =	sld [smem:$0x3FB3]  }
0x2b: {  	s6 =	sld [smem:$0x3FB4]  }
0x2c: {  	s7 =	sld [smem:$0x3FB5]  }
0x2d: {  	s3 =	simm.s32 $0x108;
	s8 =	sld [smem:$0x3FB6]  }
0x2e: {  	s3 =	simm.s32 @!p0 $0x1082;
	s9 =	sld [smem:$0x3FB7]  }
0x2f: {  	lr =	sadd.s32 s0, s3;
	s0 =	sld [smem:$0x3FAE]  }
0x30: {  	s3 =	sld [smem:$0x3FB1]  }
0x31: {  	[smem:$0x3FBA] =	sst s10  }
0x32: {  	s10 =	sld [smem:$0x3FB8];
	_ =	sdelay $0x3  }
0x33: {  	p0 =	seq.s32 s10, $0x1;
	s10 =	sld [smem:$0x3FBA];
	_ =	sdelay $0x3  }
0x34: {  	[smem:$0x3FBA] =	sst s10  }
0x35: {  	s10 =	sld [smem:$0x3FB9];
	_ =	sdelay $0x3  }
0x36: {  	p1 =	seq.s32 s10, $0x1;
	s10 =	sld [smem:$0x3FBA];
	_ =	sdelay $0x3  }
0x37: {  	[smem:$0x3FBA] =	sst s10  }
0x38: {  	s10 =	sld [smem:$0x3FBB]  }
0x39: {  	_ = 	snop;
	(pc) =	sbr.ind lr, $3  }
0x3a: {  	_ = 	snop  }
0x3b: {  	_ = 	snop  }
0x3c: {  	p2 =	seq.s32 s10, $0x1;
	s10 =	sld [smem:$0x3FBA]  }
0x3d: {  	_ =	shalt  }
0x3e: {  	_ =	shalt  }
0x3f: {  	_ =	shalt  }
0x40: {  	_ =	shalt  }
0x41: {  	_ =	shalt  }
0x42: {  	_ =	shalt  }
0x43: {  	_ =	shalt  }
0x44: {  	_ =	shalt  }
0x45: {  	_ =	shalt  }
0x46: {  	_ =	shalt  }
0x47: {  	_ =	shalt  }
0x48: {  	_ =	shalt  }
0x49: {  	_ =	shalt  }
0x4a: {  	_ =	shalt  }
0x4b: {  	_ =	shalt  }
0x4c: {  	_ =	shalt  }
0x4d: {  	_ =	shalt  }
0x4e: {  	_ =	shalt  }
0x4f: {  	_ =	shalt  }
0x50: {  	_ =	shalt  }
0x51: {  	_ =	shalt  }
0x52: {  	_ =	shalt  }
0x53: {  	_ =	shalt  }
0x54: {  	_ =	shalt  }
0x55: {  	_ =	shalt  }
0x56: {  	_ =	shalt  }
0x57: {  	_ =	shalt  }
0x58: {  	_ =	shalt  }
0x59: {  	_ =	shalt  }
0x5a: {  	_ =	shalt  }
0x5b: {  	_ =	shalt  }
0x5c: {  	_ =	shalt  }
0x5d: {  	_ =	shalt  }
0x5e: {  	_ =	shalt  }
0x5f: {  	_ =	shalt  }
0x60: {  	_ =	shalt  }
0x61: {  	_ =	shalt  }
0x62: {  	_ =	shalt  }
0x63: {  	_ =	shalt  }
0x64: {  	_ =	shalt  }
0x65: {  	_ =	shalt  }
0x66: {  	_ =	shalt  }
0x67: {  	_ =	shalt  }
0x68: {  	_ =	shalt  }
0x69: {  	_ =	shalt  }
0x6a: {  	_ =	shalt  }
0x6b: {  	_ =	shalt  }
0x6c: {  	_ =	shalt  }
0x6d: {  	_ =	shalt  }
0x6e: {  	_ =	shalt  }
0x6f: {  	_ =	shalt  }
0x70: {  	_ =	shalt  }
0x71: {  	_ =	shalt  }
0x72: {  	_ =	shalt  }
0x73: {  	_ =	shalt  }
0x74: {  	_ =	shalt  }
0x75: {  	_ =	shalt  }
0x76: {  	_ =	shalt  }
0x77: {  	_ =	shalt  }
0x78: {  	_ =	shalt  }
0x79: {  	_ =	shalt  }
0x7a: {  	_ =	shalt  }
0x7b: {  	_ =	shalt  }
0x7c: {  	_ =	shalt  }
0x7d: {  	_ =	shalt  }
0x7e: {  	_ =	shalt  }
0x7f: {  	_ =	shalt  }
0x80: {  	_ =	shalt  }
0x81: {  	_ =	shalt  }
0x82: {  	_ =	shalt  }
0x83: {  	_ =	shalt  }
0x84: {  	_ =	shalt  }
0x85: {  	_ =	shalt  }
0x86: {  	_ =	shalt  }
0x87: {  	_ =	shalt  }
.Lfunc_end0:
.L_simem_size_0:
called_computation_lowered:
.L_overlay_start_0:
0x88: {  	s2 =	sld [smem:$0x3FD9]  }
0x89: {  	s3 =	sld [smem:$0x3FFE];
	_ =	sdelay $0x1  }
0x8a: {  	s1 =	srdreg.scid  }
0x8b: {  	s0 =	sand.u32 $0x1, s1  }
0x8c: {  	s15 =	sshll.u32 s0, $0xA;
	s2 =	sadd.s32 s3, s2  }
0x8d: {  	s2 =	sadd.s32 s2, s15  }
0x8e: {  	[smem:$0x3FC6] =	sst s2  }
0x8f: {  	_ = 	snop  }
0x90: {  	s2 =	sld [smem:$0x3FD0];
	_ =	sdelay $0x2  }
0x91: {  	s4 =	simm.s32 $0xA;
	s5 =	simm.s32 $0x10;
	s16 =	sld [smem:$0x3FC8]  }
0x92: {  	[smem:s5], [sflag:s4] =	dma.local [hbm:s2], $0x1  }
0x93: {  	_ =	swait.eq [sflag:s4], $0x1  }
0x94: {  	[sflag:s4] =	ssyncset.done $0x0  }
0x95: {  	[sflag:s4] =	ssyncadd.s32 $0xFFFFFFFF  }
0x96: {  	s17 =	sld [smem:$0x11];
	(tm) =	ssettm $0x1  }
0x97: {  	s18 =	sld [smem:$0x3FFB];
	_ =	sdelay $0x3  }
0x98: {  	_ =	strace s18  }
0x99: {  	s4 =	sld [smem:$0x3FFC];
	_ =	sdelay $0x3  }
0x9a: {  	_ =	strace s4  }
0x9b: {  	s4 =	sld [smem:$0x3FFD];
	_ =	sdelay $0x3  }
0x9c: {  	_ =	strace s4  }
0x9d: {  	_ =	strace $0x8FFFFFFF  }
0x9e: {  	s19 =	sld [smem:$0x3FDB];
	_ =	sdelay $0x1  }
0x9f: {  	s20 =	simm.s32 $_scs_section_size  }
0xa0: {  	s6 =	simm.s32 $_size__tile_overlayer_lowered;
	s7 =	simm.s32 $_tile_overlayer_lowered  }
0xa1: {  	s23 =	simm.s32 $0x1BFF;
	s22 =	sshll.u32 s7, $0x1;
	s4 =	sadd.s32 s20, s19  }
0xa2: {  	s8 =	simm.s32 $0x0;
	s21 =	sshll.u32 s6, $0x1;
	s6 =	sadd.s32 s22, s4  }
0xa3: {  	[timem:s8], [sflag:s23] =	dma.local [hbm:s6], s21  }
0xa4: {  	_ =	swait.ge [sflag:s23], s21  }
0xa5: {  	s5 =	ssub.s32 $0x0, s21;
	[sflag:s23] =	ssyncset.done $0x0  }
0xa6: {  	[sflag:s23] =	ssyncadd.s32 s5;
	_ =	sdelay $0x1  }
0xa7: {  	s24 =	simm.s32 $0x1B8B  }
0xa8: {  	_ =	swait.ge [sflag:s24], $0x1  }
0xa9: {  	[sflag:s24] =	ssyncset.done $0x0  }
0xaa: {  	s25 =	simm.s32 $0x1B8E;
	[sflag:s24] =	ssyncadd.s32 $0xFFFFFFFF  }
0xab: {  	s26 =	simm.s32 $execute0_lowered;
	[smem:$0x3FD2] =	sst s25  }
0xac: {  	s5 =	sshll.u32 s26, $0x1;
	_ =	strace $0x80000046;
	[dreg:$0x1] =	wrdreg $0xFFFFFFFF  }
0xad: {  	s28 =	simm.s32 $_size_execute0_lowered;
	s4 =	sadd.s32 s4, s5;
	[dreg:$0x0] =	wrdreg $0x0  }
0xae: {  	s5 =	sshll.u32 s28, $0x1;
	[dreg:$0x2] =	wrdreg s4  }
0xaf: {  	[dreg:$0x3] =	wrdreg s5  }
0xb0: {  	[dreg:$0x4] =	wrdreg $0xC0  }
0xb1: {  	_ =	task [dreg:s8], $0x5FFFF  }
0xb2: {  	[dreg:$0x1] =	wrdreg $0xFFFFFFFF  }
0xb3: {  	[dreg:$0x0] =	wrdreg $0x60  }
0xb4: {  	[dreg:$0x2] =	wrdreg s16  }
0xb5: {  	[dreg:$0x3] =	wrdreg s17  }
0xb6: {  	[dreg:$0x4] =	wrdreg $0x9  }
0xb7: {  	_ =	task.clear_ibuf [dreg:s8], $0x5FFFF;
	_ =	strace $0x90000046  }
0xb8: {  	s29 =	simm.s32 $0x9;
	_ =	strace $0x80000048  }
0xb9: {  	_ =	swait.ge [sflag:s29], $0x1  }
0xba: {  	[sflag:s29] =	ssyncadd.s32 $0xFFFFFFFF  }
0xbb: {  	_ =	strace $0x90000048  }
0xbc: {  	_ =	sfence  }
0xbd: {  	s30 =	sld [smem:$0x0];
	_ =	sdelay $0x2  }
0xbe: {  	s31 =	sshll.u32 s1, $0xD;
	s1 =	sshrl.u32 s1, $0x2  }
0xbf: {  	s3 =	sand.u32 $0x4000, s31;
	s1 =	sadd.s32 s1, s30  }
0xc0: {  	s0 =	sor.u32 s3, s0;
	s1 =	sshll.u32 s1, $0x11  }
0xc1: {  	s0 =	sor.u32 s1, s0  }
0xc2: {  	s0 =	sadd.s32 $0x8F2B, s0  }
0xc3: {  	[sflag:s0] =	ssyncadd.remote.s32 $0x1  }
0xc4: {  	_ =	sfence.sel $0xFFFF  }
0xc5: {  	[dreg:$0x0] =	wrdreg $0xFFFFFFFF;
	(pc) =	sbr.abs _section_cstart, $3  }
0xc6: {  	[dreg:$0x1] =	wrdreg $0xFFFFFFFF  }
0xc7: {  	_ =	task.clear_ibuf [dreg:s8], $0x2FFFF;
	_ =	strace $0x9FFFFFFF  }
0xc8: {  	(tm) =	ssettm $0x7FFFFFFF  }
0xc9: {  	_ =	shalt  }
tec
execute0_lowered:
.L_overlay_start_1:
0x0: {  	(tag) =	ssettag $0x1  }
0x1: {  	s0 =	rddreg [dreg:$0x0];
	s2 =	srdreg.scid  }
0x2: {  	s4 =	stileid.u32;
	s1 =	rddreg [dreg:$0x1]  }
0x3: {  	s28 =	simm.s32 $0x80;
	s29 =	simm.s32 $0x800;
	s31 =	simm.s32 $0x1  }
0x4: {  	s30 =	simm.s32 $0x2;
	s3 =	sand.u32 $0x1, s2;
	s4 =	sshll.u32 s4, $0x1  }
0x5: {  	p0 =	por $0x0, $0x0;
	s2 =	simm.s32 $0x0;
	s4 =	sor.u32 s3, s4  }
0x6: {  	[smem:$0x7FF] =	sst s2;
	s3 =	ssub.s32 $0x2, s3;
	s5 =	sshll.u32 s4, $0x9  }
0x7: {  	_ =	strace $0x80000047;
	s6 =	sshll.u32 s4, $0x11;
	s4 =	sshll.u32 s4, $0xD  }
0x8: {  	s7 =	sor.u32 $0x40, s5;
	s6 =	sadd.s32 s0, s6;
	s26 =	sor.u32 $0x80, s5  }
0x9: {  	s9 =	sor.u32 $0xC0, s5;
	s11 =	sor.u32 $0x100, s5;
	s17 =	sor.u32 $0x140, s5  }
0xa: {  	s12 =	sor.u32 $0x180, s5;
	s5 =	sor.u32 $0x1C0, s5;
	s21 =	sadd.s32 s1, s4  }
0xb: {  	s8 =	sshll.u32 s7, $0x8;
	[dreg:$0x3] =	wrdreg s6;
	s13 =	sshll.u32 s26, $0x8  }
0xc: {  	s10 =	sshll.u32 s9, $0x8;
	s15 =	sshll.u32 s11, $0x8;
	s18 =	sshll.u32 s17, $0x8  }
0xd: {  	s20 =	sshll.u32 s5, $0x8;
	s22 =	sshll.u32 s7, $0x4;
	[dreg:$0xb] =	wrdreg s21  }
0xe: {  	s24 =	sshll.u32 s26, $0x4;
	s26 =	sshll.u32 s9, $0x4;
	s7 =	sshrl.u32 s3, $0x1  }
0xf: {  	s5 =	sshll.u32 s5, $0x4;
	s21 =	simm.s32 $0x6;
	s25 =	sadd.s32 s0, s8  }
0x10: {  	s6 =	sadd.s32 s0, s13;
	s14 =	sadd.s32 s0, s10;
	s16 =	sadd.s32 s0, s15  }
0x11: {  	s13 =	sshll.u32 s12, $0x8;
	s23 =	sadd.s32 s1, s22;
	s4 =	sadd.s32 s1, s26  }
0x12: {  	s9 =	ssub.s32 s3, s7;
	s3 =	sadd.s32 s1, s5;
	[dreg:$0x4] =	wrdreg s25  }
0x13: {  	s22 =	simm.s32 $0x4000;
	s15 =	simm.s32 $0xA000;
	[dreg:$0x5] =	wrdreg s6  }
0x14: {  	s26 =	simm.s32 $0x3;
	s10 =	simm.s32 $0xD;
	[dreg:$0x6] =	wrdreg s14  }
0x15: {  	s7 =	simm.s32 $0xF;
	s5 =	simm.s32 $0x10;
	[dreg:$0x7] =	wrdreg s16  }
0x16: {  	s6 =	sadd.s32 s0, s18;
	s19 =	sadd.s32 s0, s13;
	[dreg:$0xc] =	wrdreg s23  }
0x17: {  	s0 =	sadd.s32 s0, s20;
	s25 =	sadd.s32 s1, s24;
	[dreg:$0xe] =	wrdreg s4  }
0x18: {  	s13 =	sshll.u32 s12, $0x4;
	s14 =	smax.u32 s9, $0x1;
	s24 =	simm.s32 $0x2000  }
0x19: {  	s20 =	simm.s32 $0x6000;
	s9 =	simm.s32 $0xE000;
	[dreg:$0x8] =	wrdreg s6  }
0x1a: {  	s23 =	simm.s32 $0x5;
	s18 =	simm.s32 $0x8;
	[dreg:$0x9] =	wrdreg s19  }
0x1b: {  	s16 =	simm.s32 $0x9;
	s12 =	simm.s32 $0xC;
	[dreg:$0xa] =	wrdreg s0  }
0x1c: {  	[dreg:$0xd] =	wrdreg s25;
	s6 =	sshll.u32 s11, $0x4;
	p1 =	sne.s32 s14, $0x1  }
.Ltmp0:
0x1d: {  	s11 =	sshll.u32 s17, $0x4;
	s4 =	sadd.s32 s1, s13;
	(pc) =	sbr.rel @!p1 .LBB2_3-.Ltmp0, $4  }
0x1e: {  	s17 =	simm.s32 $0x8000;
	s25 =	simm.s32 $0x4;
	s19 =	simm.s32 $0x7  }
0x1f: {  	s13 =	simm.s32 $0xA;
	s0 =	rddreg [dreg:$0x3];
	s8 =	sadd.s32 s1, s6  }
0x20: {  	s6 =	sadd.s32 s1, s11;
	s11 =	simm.s32 $0xC000;
	s1 =	sadd.s32 $0xFFFFFFFF, s14  }
0x21: {  	s14 =	simm.s32 $0xB;
	[dreg:$0xf] =	wrdreg s8;
	s8 =	simm.s32 $0xE  }
0x22: {  	[dreg:$0x10] =	wrdreg s1  }
0x23: {  	[tilespmem:s2], [sflag:$0x1] =	stream.strided.gather [hbm4b:s0+s28], $0x2000, s29, s28, $0x38;
	[tilespmem:$0x10000] =	vst v63  }
0x24: {  	s1 =	rddreg [dreg:$0x4]  }
0x25: {  	[tilespmem:s24], [sflag:$0x2] =	stream.strided.gather [hbm4b:s1+s28], $0x2000, s29, s28, $0x38;
	[tilespmem:$0x10000] =	vst v63  }
0x26: {  	s0 =	rddreg [dreg:$0x5]  }
0x27: {  	[tilespmem:s22], [sflag:$0x3] =	stream.strided.gather [hbm4b:s0+s28], $0x2000, s29, s28, $0x38;
	[tilespmem:$0x10000] =	vst v63  }
0x28: {  	s1 =	rddreg [dreg:$0x6]  }
0x29: {  	[tilespmem:s20], [sflag:$0x4] =	stream.strided.gather [hbm4b:s1+s28], $0x2000, s29, s28, $0x38;
	[tilespmem:$0x10000] =	vst v63  }
0x2a: {  	s0 =	rddreg [dreg:$0x7]  }
0x2b: {  	[tilespmem:s17], [sflag:$0x5] =	stream.strided.gather [hbm4b:s0+s28], $0x2000, s29, s28, $0x38;
	[tilespmem:$0x10000] =	vst v63  }
0x2c: {  	s1 =	rddreg [dreg:$0x8]  }
0x2d: {  	[tilespmem:s15], [sflag:$0x6] =	stream.strided.gather [hbm4b:s1+s28], $0x2000, s29, s28, $0x38;
	[tilespmem:$0x10000] =	vst v63  }
0x2e: {  	s0 =	rddreg [dreg:$0x9]  }
0x2f: {  	[tilespmem:s11], [sflag:$0x7] =	stream.strided.gather [hbm4b:s0+s28], $0x2000, s29, s28, $0x38;
	[tilespmem:$0x10000] =	vst v63  }
0x30: {  	s1 =	rddreg [dreg:$0xa]  }
0x31: {  	[tilespmem:s9], [sflag:$0x8] =	stream.strided.gather [hbm4b:s1+s28], $0x2000, s29, s28, $0x38;
	[tilespmem:$0x10000] =	vst v63  }
0x32: {  	_ =	swait.ge [sflag:s31], $0x2000  }
0x33: {  	[sflag:s31] =	ssyncset.done $0x0  }
0x34: {  	s1 =	rddreg [dreg:$0xb];
	[sflag:s31] =	ssyncadd.s32 $0xFFFFE000  }
0x35: {  	[hbm4b:s1+s2] =	stream.linear.scatter [tilespmem:s2], [sflag:$0x9], $0x2000, $0x38;
	[tilespmem:$0x10000] =	vst v63  }
0x36: {  	_ =	swait.ge [sflag:s30], $0x2000  }
0x37: {  	[sflag:s30] =	ssyncset.done $0x0  }
0x38: {  	s1 =	rddreg [dreg:$0xc];
	[sflag:s30] =	ssyncadd.s32 $0xFFFFE000  }
0x39: {  	[hbm4b:s1+s2] =	stream.linear.scatter [tilespmem:s24], [sflag:$0xA], $0x2000, $0x38;
	[tilespmem:$0x10000] =	vst v63  }
0x3a: {  	_ =	swait.ge [sflag:s26], $0x2000  }
0x3b: {  	[sflag:s26] =	ssyncset.done $0x0  }
0x3c: {  	s1 =	rddreg [dreg:$0xd];
	[sflag:s26] =	ssyncadd.s32 $0xFFFFE000  }
0x3d: {  	[hbm4b:s1+s2] =	stream.linear.scatter [tilespmem:s22], [sflag:$0xB], $0x2000, $0x38;
	[tilespmem:$0x10000] =	vst v63  }
0x3e: {  	_ =	swait.ge [sflag:s25], $0x2000  }
0x3f: {  	[sflag:s25] =	ssyncset.done $0x0  }
0x40: {  	s1 =	rddreg [dreg:$0xe];
	[sflag:s25] =	ssyncadd.s32 $0xFFFFE000  }
0x41: {  	[hbm4b:s1+s2] =	stream.linear.scatter [tilespmem:s20], [sflag:$0xC], $0x2000, $0x38;
	[tilespmem:$0x10000] =	vst v63  }
0x42: {  	_ =	swait.ge [sflag:s23], $0x2000  }
0x43: {  	[sflag:s23] =	ssyncset.done $0x0  }
0x44: {  	s1 =	rddreg [dreg:$0xf];
	[sflag:s23] =	ssyncadd.s32 $0xFFFFE000  }
0x45: {  	[hbm4b:s1+s2] =	stream.linear.scatter [tilespmem:s17], [sflag:$0xD], $0x2000, $0x38;
	[tilespmem:$0x10000] =	vst v63  }
0x46: {  	_ =	swait.ge [sflag:s21], $0x2000  }
0x47: {  	[sflag:s21] =	ssyncset.done $0x0  }
0x48: {  	[sflag:s21] =	ssyncadd.s32 $0xFFFFE000  }
0x49: {  	[hbm4b:s6+s2] =	stream.linear.scatter [tilespmem:s15], [sflag:$0xE], $0x2000, $0x38;
	[tilespmem:$0x10000] =	vst v63  }
0x4a: {  	_ =	swait.ge [sflag:s19], $0x2000  }
0x4b: {  	[sflag:s19] =	ssyncset.done $0x0  }
0x4c: {  	[sflag:s19] =	ssyncadd.s32 $0xFFFFE000  }
0x4d: {  	[hbm4b:s4+s2] =	stream.linear.scatter [tilespmem:s11], [sflag:$0xF], $0x2000, $0x38;
	[tilespmem:$0x10000] =	vst v63  }
0x4e: {  	_ =	swait.ge [sflag:s18], $0x2000  }
0x4f: {  	[sflag:s18] =	ssyncset.done $0x0  }
0x50: {  	[sflag:s18] =	ssyncadd.s32 $0xFFFFE000  }
0x51: {  	[hbm4b:s3+s2] =	stream.linear.scatter [tilespmem:s9], [sflag:$0x10], $0x2000, $0x38;
	[tilespmem:$0x10000] =	vst v63  }
0x52: {  	_ =	swait.ge [sflag:s16], $0x2000  }
0x53: {  	[sflag:s16] =	ssyncset.done $0x0  }
0x54: {  	[sflag:s16] =	ssyncadd.s32 $0xFFFFE000  }
0x55: {  	_ =	swait.ge [sflag:s13], $0x2000  }
0x56: {  	[sflag:s13] =	ssyncset.done $0x0  }
0x57: {  	[sflag:s13] =	ssyncadd.s32 $0xFFFFE000  }
0x58: {  	_ =	swait.ge [sflag:s14], $0x2000  }
0x59: {  	[sflag:s14] =	ssyncset.done $0x0  }
0x5a: {  	[sflag:s14] =	ssyncadd.s32 $0xFFFFE000  }
0x5b: {  	_ =	swait.ge [sflag:s12], $0x2000  }
0x5c: {  	[sflag:s12] =	ssyncset.done $0x0  }
0x5d: {  	[sflag:s12] =	ssyncadd.s32 $0xFFFFE000  }
0x5e: {  	_ =	swait.ge [sflag:s10], $0x2000  }
0x5f: {  	[sflag:s10] =	ssyncset.done $0x0  }
0x60: {  	[sflag:s10] =	ssyncadd.s32 $0xFFFFE000  }
0x61: {  	_ =	swait.ge [sflag:s8], $0x2000  }
0x62: {  	[sflag:s8] =	ssyncset.done $0x0  }
0x63: {  	[sflag:s8] =	ssyncadd.s32 $0xFFFFE000  }
0x64: {  	_ =	swait.ge [sflag:s7], $0x2000  }
0x65: {  	s1 =	rddreg [dreg:$0x10]  }
0x66: {  	p1 =	sne.s32 s1, $0x1  }
.Ltmp1:
0x67: {  	_ = 	snop;
	(pc) =	sbr.rel @!p1 .LBB2_3-.Ltmp1, $4  }
0x68: {  	[sflag:s7] =	ssyncset.done $0x0  }
0x69: {  	[sflag:s7] =	ssyncadd.s32 $0xFFFFE000  }
0x6a: {  	p0 =	por $0x1, $0x1;
	_ =	swait.ge [sflag:s5], $0x2000  }
0x6b: {  	s1 =	sadd.s32 $0xFFFFFFFF, s1;
	s0 =	rddreg [dreg:$0x3];
	[sflag:s5] =	ssyncset.done $0x0  }
.LBB2_2:
0x6c: {  	[sflag:s5] =	ssyncadd.s32 $0xFFFFE000;
	s5 =	simm.s32 $0x2000;
	s9 =	smov.u32 s6  }
0x6d: {  	[tilespmem:s2], [sflag:$0x1] =	stream.strided.gather [hbm4b:s0+s28], $0x2000, s29, s28, $0x38;
	[tilespmem:$0x10000] =	vst v63  }
0x6e: {  	s6 =	smov.u32 s4;
	s4 =	smov.u32 s3;
	s3 =	rddreg [dreg:$0x4]  }
0x6f: {  	[tilespmem:s5], [sflag:$0x2] =	stream.strided.gather [hbm4b:s3+s28], $0x2000, s29, s28, $0x38;
	[tilespmem:$0x10000] =	vst v63  }
0x70: {  	s24 =	simm.s32 $0x4000;
	s0 =	rddreg [dreg:$0x5]  }
0x71: {  	[tilespmem:s24], [sflag:$0x3] =	stream.strided.gather [hbm4b:s0+s28], $0x2000, s29, s28, $0x38;
	[tilespmem:$0x10000] =	vst v63  }
0x72: {  	s22 =	simm.s32 $0x6000;
	s3 =	rddreg [dreg:$0x6]  }
0x73: {  	[tilespmem:s22], [sflag:$0x4] =	stream.strided.gather [hbm4b:s3+s28], $0x2000, s29, s28, $0x38;
	[tilespmem:$0x10000] =	vst v63  }
0x74: {  	s20 =	simm.s32 $0x8000;
	s0 =	rddreg [dreg:$0x7]  }
0x75: {  	[tilespmem:s20], [sflag:$0x5] =	stream.strided.gather [hbm4b:s0+s28], $0x2000, s29, s28, $0x38;
	[tilespmem:$0x10000] =	vst v63  }
0x76: {  	s17 =	simm.s32 $0xA000;
	s3 =	rddreg [dreg:$0x8]  }
0x77: {  	[tilespmem:s17], [sflag:$0x6] =	stream.strided.gather [hbm4b:s3+s28], $0x2000, s29, s28, $0x38;
	[tilespmem:$0x10000] =	vst v63  }
0x78: {  	s15 =	simm.s32 $0xC000;
	s0 =	rddreg [dreg:$0x9]  }
0x79: {  	[tilespmem:s15], [sflag:$0x7] =	stream.strided.gather [hbm4b:s0+s28], $0x2000, s29, s28, $0x38;
	[tilespmem:$0x10000] =	vst v63  }
0x7a: {  	s11 =	simm.s32 $0xE000;
	s3 =	rddreg [dreg:$0xa]  }
0x7b: {  	[tilespmem:s11], [sflag:$0x8] =	stream.strided.gather [hbm4b:s3+s28], $0x2000, s29, s28, $0x38;
	[tilespmem:$0x10000] =	vst v63  }
0x7c: {  	_ =	swait.ge [sflag:s31], $0x2000  }
0x7d: {  	[sflag:s31] =	ssyncset.done $0x0  }
0x7e: {  	s0 =	rddreg [dreg:$0xb];
	[sflag:s31] =	ssyncadd.s32 $0xFFFFE000  }
0x7f: {  	[hbm4b:s0+s2] =	stream.linear.scatter [tilespmem:s2], [sflag:$0x9], $0x2000, $0x38;
	[tilespmem:$0x10000] =	vst v63  }
0x80: {  	_ =	swait.ge [sflag:s30], $0x2000  }
0x81: {  	[sflag:s30] =	ssyncset.done $0x0  }
0x82: {  	s24 =	simm.s32 $0x2000;
	s0 =	rddreg [dreg:$0xc];
	[sflag:s30] =	ssyncadd.s32 $0xFFFFE000  }
0x83: {  	[hbm4b:s0+s2] =	stream.linear.scatter [tilespmem:s24], [sflag:$0xA], $0x2000, $0x38;
	[tilespmem:$0x10000] =	vst v63  }
0x84: {  	_ =	swait.ge [sflag:s26], $0x2000  }
0x85: {  	[sflag:s26] =	ssyncset.done $0x0  }
0x86: {  	s22 =	simm.s32 $0x4000;
	s0 =	rddreg [dreg:$0xd];
	[sflag:s26] =	ssyncadd.s32 $0xFFFFE000  }
0x87: {  	[hbm4b:s0+s2] =	stream.linear.scatter [tilespmem:s22], [sflag:$0xB], $0x2000, $0x38;
	[tilespmem:$0x10000] =	vst v63  }
0x88: {  	_ =	swait.ge [sflag:s25], $0x2000  }
0x89: {  	[sflag:s25] =	ssyncset.done $0x0  }
0x8a: {  	s20 =	simm.s32 $0x6000;
	s0 =	rddreg [dreg:$0xe];
	[sflag:s25] =	ssyncadd.s32 $0xFFFFE000  }
0x8b: {  	[hbm4b:s0+s2] =	stream.linear.scatter [tilespmem:s20], [sflag:$0xC], $0x2000, $0x38;
	[tilespmem:$0x10000] =	vst v63  }
0x8c: {  	_ =	swait.ge [sflag:s23], $0x2000  }
0x8d: {  	[sflag:s23] =	ssyncset.done $0x0  }
0x8e: {  	s17 =	simm.s32 $0x8000;
	s0 =	rddreg [dreg:$0xf];
	[sflag:s23] =	ssyncadd.s32 $0xFFFFE000  }
0x8f: {  	[hbm4b:s0+s2] =	stream.linear.scatter [tilespmem:s17], [sflag:$0xD], $0x2000, $0x38;
	[tilespmem:$0x10000] =	vst v63  }
0x90: {  	_ =	swait.ge [sflag:s21], $0x2000  }
0x91: {  	s15 =	simm.s32 $0xA000;
	s3 =	smov.u32 s4;
	[sflag:s21] =	ssyncset.done $0x0  }
0x92: {  	s4 =	smov.u32 s6;
	s6 =	smov.u32 s9;
	[sflag:s21] =	ssyncadd.s32 $0xFFFFE000  }
0x93: {  	[hbm4b:s6+s2] =	stream.linear.scatter [tilespmem:s15], [sflag:$0xE], $0x2000, $0x38;
	[tilespmem:$0x10000] =	vst v63  }
0x94: {  	_ =	swait.ge [sflag:s19], $0x2000  }
0x95: {  	[sflag:s19] =	ssyncset.done $0x0  }
0x96: {  	s11 =	simm.s32 $0xC000;
	[sflag:s19] =	ssyncadd.s32 $0xFFFFE000  }
0x97: {  	[hbm4b:s4+s2] =	stream.linear.scatter [tilespmem:s11], [sflag:$0xF], $0x2000, $0x38;
	[tilespmem:$0x10000] =	vst v63  }
0x98: {  	_ =	swait.ge [sflag:s18], $0x2000  }
0x99: {  	[sflag:s18] =	ssyncset.done $0x0  }
0x9a: {  	s9 =	simm.s32 $0xE000;
	[sflag:s18] =	ssyncadd.s32 $0xFFFFE000  }
0x9b: {  	[hbm4b:s3+s2] =	stream.linear.scatter [tilespmem:s9], [sflag:$0x10], $0x2000, $0x38;
	[tilespmem:$0x10000] =	vst v63  }
0x9c: {  	_ =	swait.ge [sflag:s16], $0x2000  }
0x9d: {  	[sflag:s16] =	ssyncset.done $0x0  }
0x9e: {  	[sflag:s16] =	ssyncadd.s32 $0xFFFFE000  }
0x9f: {  	_ =	swait.ge [sflag:s13], $0x2000  }
0xa0: {  	[sflag:s13] =	ssyncset.done $0x0  }
0xa1: {  	[sflag:s13] =	ssyncadd.s32 $0xFFFFE000  }
0xa2: {  	_ =	swait.ge [sflag:s14], $0x2000  }
0xa3: {  	[sflag:s14] =	ssyncset.done $0x0  }
0xa4: {  	[sflag:s14] =	ssyncadd.s32 $0xFFFFE000  }
0xa5: {  	_ =	swait.ge [sflag:s12], $0x2000  }
0xa6: {  	[sflag:s12] =	ssyncset.done $0x0  }
0xa7: {  	[sflag:s12] =	ssyncadd.s32 $0xFFFFE000  }
0xa8: {  	_ =	swait.ge [sflag:s10], $0x2000  }
0xa9: {  	[sflag:s10] =	ssyncset.done $0x0  }
0xaa: {  	[sflag:s10] =	ssyncadd.s32 $0xFFFFE000  }
0xab: {  	_ =	swait.ge [sflag:s8], $0x2000  }
0xac: {  	[sflag:s8] =	ssyncset.done $0x0  }
0xad: {  	p1 =	sne.s32 s1, $0x1;
	[sflag:s8] =	ssyncadd.s32 $0xFFFFE000  }
.Ltmp2:
0xae: {  	_ =	swait.ge [sflag:s7], $0x2000;
	(pc) =	sbr.rel @p1 .LBB2_2-.Ltmp2, $4  }
0xaf: {  	[sflag:s7] =	ssyncset.done $0x0  }
0xb0: {  	s5 =	simm.s32 $0x10;
	[sflag:s7] =	ssyncadd.s32 $0xFFFFE000  }
0xb1: {  	_ =	swait.ge [sflag:s5], $0x2000  }
0xb2: {  	s1 =	sadd.s32 $0xFFFFFFFF, s1;
	s0 =	rddreg [dreg:$0x3];
	[sflag:s5] =	ssyncset.done $0x0  }
.LBB2_3:
0xb3: {  	[sflag:s5] =	ssyncadd.s32 @p0 $0xFFFFE000  }
0xb4: {  	[tilespmem:s2], [sflag:$0x1] =	stream.strided.gather [hbm4b:s0+s28], $0x2000, s29, s28, $0x38;
	[tilespmem:$0x10000] =	vst v63  }
0xb5: {  	s1 =	rddreg [dreg:$0x4]  }
0xb6: {  	[tilespmem:s24], [sflag:$0x2] =	stream.strided.gather [hbm4b:s1+s28], $0x2000, s29, s28, $0x38;
	[tilespmem:$0x10000] =	vst v63  }
0xb7: {  	s0 =	rddreg [dreg:$0x5]  }
0xb8: {  	[tilespmem:s22], [sflag:$0x3] =	stream.strided.gather [hbm4b:s0+s28], $0x2000, s29, s28, $0x38;
	[tilespmem:$0x10000] =	vst v63  }
0xb9: {  	s1 =	rddreg [dreg:$0x6]  }
0xba: {  	[tilespmem:s20], [sflag:$0x4] =	stream.strided.gather [hbm4b:s1+s28], $0x2000, s29, s28, $0x38;
	[tilespmem:$0x10000] =	vst v63  }
0xbb: {  	s0 =	rddreg [dreg:$0x7]  }
0xbc: {  	[tilespmem:s17], [sflag:$0x5] =	stream.strided.gather [hbm4b:s0+s28], $0x2000, s29, s28, $0x38;
	[tilespmem:$0x10000] =	vst v63  }
0xbd: {  	s1 =	rddreg [dreg:$0x8]  }
0xbe: {  	[tilespmem:s15], [sflag:$0x6] =	stream.strided.gather [hbm4b:s1+s28], $0x2000, s29, s28, $0x38;
	[tilespmem:$0x10000] =	vst v63  }
0xbf: {  	s0 =	rddreg [dreg:$0x9]  }
0xc0: {  	[tilespmem:s11], [sflag:$0x7] =	stream.strided.gather [hbm4b:s0+s28], $0x2000, s29, s28, $0x38;
	[tilespmem:$0x10000] =	vst v63  }
0xc1: {  	s1 =	rddreg [dreg:$0xa]  }
0xc2: {  	[tilespmem:s9], [sflag:$0x8] =	stream.strided.gather [hbm4b:s1+s28], $0x2000, s29, s28, $0x38;
	[tilespmem:$0x10000] =	vst v63  }
0xc3: {  	_ =	swait.ge [sflag:s31], $0x2000  }
0xc4: {  	[sflag:s31] =	ssyncset.done $0x0  }
0xc5: {  	s29 =	rddreg [dreg:$0xb];
	[sflag:s31] =	ssyncadd.s32 $0xFFFFE000  }
0xc6: {  	[hbm4b:s29+s2] =	stream.linear.scatter [tilespmem:s2], [sflag:$0x9], $0x2000, $0x38;
	[tilespmem:$0x10000] =	vst v63  }
0xc7: {  	_ =	swait.ge [sflag:s30], $0x2000  }
0xc8: {  	[sflag:s30] =	ssyncset.done $0x0  }
0xc9: {  	s1 =	rddreg [dreg:$0xc];
	[sflag:s30] =	ssyncadd.s32 $0xFFFFE000  }
0xca: {  	[hbm4b:s1+s2] =	stream.linear.scatter [tilespmem:s24], [sflag:$0xA], $0x2000, $0x38;
	[tilespmem:$0x10000] =	vst v63  }
0xcb: {  	_ =	swait.ge [sflag:s26], $0x2000  }
0xcc: {  	[sflag:s26] =	ssyncset.done $0x0  }
0xcd: {  	s28 =	rddreg [dreg:$0xd];
	[sflag:s26] =	ssyncadd.s32 $0xFFFFE000  }
0xce: {  	[hbm4b:s28+s2] =	stream.linear.scatter [tilespmem:s22], [sflag:$0xB], $0x2000, $0x38;
	[tilespmem:$0x10000] =	vst v63  }
0xcf: {  	_ =	swait.ge [sflag:s25], $0x2000  }
0xd0: {  	[sflag:s25] =	ssyncset.done $0x0  }
0xd1: {  	s29 =	rddreg [dreg:$0xe];
	[sflag:s25] =	ssyncadd.s32 $0xFFFFE000  }
0xd2: {  	[hbm4b:s29+s2] =	stream.linear.scatter [tilespmem:s20], [sflag:$0xC], $0x2000, $0x38;
	[tilespmem:$0x10000] =	vst v63  }
0xd3: {  	_ =	swait.ge [sflag:s23], $0x2000  }
0xd4: {  	[sflag:s23] =	ssyncset.done $0x0  }
0xd5: {  	s30 =	rddreg [dreg:$0xf];
	[sflag:s23] =	ssyncadd.s32 $0xFFFFE000  }
0xd6: {  	[hbm4b:s30+s2] =	stream.linear.scatter [tilespmem:s17], [sflag:$0xD], $0x2000, $0x38;
	[tilespmem:$0x10000] =	vst v63  }
0xd7: {  	_ =	swait.ge [sflag:s21], $0x2000  }
0xd8: {  	[sflag:s21] =	ssyncset.done $0x0  }
0xd9: {  	[sflag:s21] =	ssyncadd.s32 $0xFFFFE000  }
0xda: {  	[hbm4b:s6+s2] =	stream.linear.scatter [tilespmem:s15], [sflag:$0xE], $0x2000, $0x38;
	[tilespmem:$0x10000] =	vst v63  }
0xdb: {  	_ =	swait.ge [sflag:s19], $0x2000  }
0xdc: {  	[sflag:s19] =	ssyncset.done $0x0  }
0xdd: {  	[sflag:s19] =	ssyncadd.s32 $0xFFFFE000  }
0xde: {  	[hbm4b:s4+s2] =	stream.linear.scatter [tilespmem:s11], [sflag:$0xF], $0x2000, $0x38;
	[tilespmem:$0x10000] =	vst v63  }
0xdf: {  	_ =	swait.ge [sflag:s18], $0x2000  }
0xe0: {  	[sflag:s18] =	ssyncset.done $0x0  }
0xe1: {  	[sflag:s18] =	ssyncadd.s32 $0xFFFFE000  }
0xe2: {  	[hbm4b:s3+s2] =	stream.linear.scatter [tilespmem:s9], [sflag:$0x10], $0x2000, $0x38;
	[tilespmem:$0x10000] =	vst v63  }
0xe3: {  	_ =	swait.ge [sflag:s16], $0x2000  }
0xe4: {  	[sflag:s16] =	ssyncset.done $0x0  }
0xe5: {  	[sflag:s16] =	ssyncadd.s32 $0xFFFFE000  }
0xe6: {  	_ =	swait.ge [sflag:s13], $0x2000  }
0xe7: {  	[sflag:s13] =	ssyncset.done $0x0  }
0xe8: {  	[sflag:s13] =	ssyncadd.s32 $0xFFFFE000  }
0xe9: {  	_ =	swait.ge [sflag:s14], $0x2000  }
0xea: {  	[sflag:s14] =	ssyncset.done $0x0  }
0xeb: {  	[sflag:s14] =	ssyncadd.s32 $0xFFFFE000  }
0xec: {  	_ =	swait.ge [sflag:s12], $0x2000  }
0xed: {  	[sflag:s12] =	ssyncset.done $0x0  }
0xee: {  	[sflag:s12] =	ssyncadd.s32 $0xFFFFE000  }
0xef: {  	_ =	swait.ge [sflag:s10], $0x2000  }
0xf0: {  	[sflag:s10] =	ssyncset.done $0x0  }
0xf1: {  	[sflag:s10] =	ssyncadd.s32 $0xFFFFE000  }
0xf2: {  	_ =	swait.ge [sflag:s8], $0x2000  }
0xf3: {  	[sflag:s8] =	ssyncset.done $0x0  }
0xf4: {  	[sflag:s8] =	ssyncadd.s32 $0xFFFFE000  }
0xf5: {  	_ =	swait.ge [sflag:s7], $0x2000  }
0xf6: {  	[sflag:s7] =	ssyncset.done $0x0  }
0xf7: {  	[sflag:s7] =	ssyncadd.s32 $0xFFFFE000  }
0xf8: {  	_ =	swait.ge [sflag:s5], $0x2000  }
0xf9: {  	[sflag:s5] =	ssyncset.done $0x0  }
0xfa: {  	[sflag:s5] =	ssyncadd.s32 $0xFFFFE000  }
0xfb: {  	_ =	sfence.sel $0x180000  }
0xfc: {  	[bflag:$0x0] =	sbarrier.arrive $0xFFFF  }
0xfd: {  	_ =	strace $0x90000047  }
0xfe: {  	s31 =	stileid.u32;
	[bflag:$0x2] =	sbarrier.arrive $0xFFFF  }
0xff: {  	p0 =	sne.s32 s31, $0x0;
	s0 =	rddreg [dreg:$0x2]  }
0x100: {  	s0 =	sadd.s32 @!p0 $0x100000, s0  }
0x101: {  	[sflag:s0] =	ssyncadd.tile.s32 @!p0 $0x1;
	_ =	shalt  }
.Lfunc_end2:
_tile_overlayer_lowered:
.L_overlay_start_2:
0x102: {  	(tag) =	ssettag $0x2  }
0x103: {  	s0 =	rddreg [dreg:$0x0];
	s2 =	stileid.u32  }
0x104: {  	s1 =	rddreg [dreg:$0x1];
	p0 =	sne.s32 s2, $0x0  }
0x105: {  	s3 =	rddreg [dreg:$0x2];
	[bflag:$0x3] =	sbarrier.arrive $0xFFFF;
	s2 =	simm.s32 @!p0 $0x1C11  }
0x106: {  	[timem:s3], [sflag:s2] =	dma.local @!p0 [hbm:s0], s1  }
0x107: {  	s0 =	simm.s32 @!p0 $0x11  }
0x108: {  	_ =	swait.ge @!p0 [sflag:s0], s1  }
0x109: {  	s1 =	ssub.s32 @!p0 $0x0, s1;
	[sflag:s0] =	ssyncset.done @!p0 $0x0  }
0x10a: {  	[sflag:s0] =	ssyncadd.s32 @!p0 s1  }
0x10b: {  	[bflag:$0x3] =	sbarrier.arrive $0xFFFF  }
0x10c: {  	_ =	shalt  }

</sc_bundles>
